<compile_context>
chip_gen: v7x
topology: tpu7x:2x2x1
jax: 0.10.2.dev20260603
libtpu: 0.0.44.dev20260713+nightly
codegen_flags: <defaults>
</compile_context>

<pallas_src>
import functools

import jax
import jax.numpy as jnp
from jax import lax
from jax.experimental import pallas as pl
from jax.experimental.pallas import tpu as pltpu
from jax.experimental.pallas import tpu_sc as plsc

B, C, H, W_IMG, K = 8, 768, 32, 32, 1024
HW = H * W_IMG
_NTILE = 16
CPT = C // _NTILE
_NCV = CPT // 16



def _norm_body(c_ref, o_ref):
    c = c_ref[...]
    n = jnp.sqrt(jnp.sum(c * c, axis=1, keepdims=True))
    o_ref[...] = (c / jnp.maximum(n, 1e-12)).astype(jnp.bfloat16)


def _assign_body(f_ref, cn_ref, idx_ref, cnt_ref):
    f = f_ref[0]
    n = jnp.sqrt(jnp.sum(f * f, axis=0, keepdims=True))
    fn = (f / jnp.maximum(n, 1e-12)).astype(jnp.bfloat16)
    cn = cn_ref[...]
    scores = lax.dot_general(cn, fn, (((1,), (0,)), ((), ())),
                             preferred_element_type=jnp.float32)
    m = jnp.max(scores, axis=0, keepdims=True)
    kio = lax.broadcasted_iota(jnp.int32, (K, HW), 0)
    idx = jnp.min(jnp.where(scores >= m, kio, K), axis=0)
    idx_ref[0, 0, :] = idx
    cnt_ref[0, 0, :] = jnp.sum((kio == idx[None, :]).astype(jnp.float32),
                               axis=1)


def _assign(f3, cn):
    return pl.pallas_call(
        _assign_body,
        grid=(B,),
        in_specs=[
            pl.BlockSpec((1, C, HW), lambda b: (b, 0, 0)),
            pl.BlockSpec((K, C), lambda b: (0, 0)),
        ],
        out_specs=[
            pl.BlockSpec((1, 1, HW), lambda b: (b, 0, 0)),
            pl.BlockSpec((1, 1, K), lambda b: (b, 0, 0)),
        ],
        out_shape=[
            jax.ShapeDtypeStruct((B, 1, HW), jnp.int32),
            jax.ShapeDtypeStruct((B, 1, K), jnp.float32),
        ],
    )(f3, cn)



def _sc_body(ft_hbm, idx_hbm, g_hbm, ftile, acc, idxv):
    cid = lax.axis_index("c")
    sid = lax.axis_index("s")
    col0 = sid * CPT
    iota16 = lax.iota(jnp.int32, 16)
    rows = [jv * 16 + iota16 for jv in range(_NCV)]
    zero16 = jnp.zeros((16,), jnp.int32)
    fz16 = jnp.zeros((16,), jnp.float32)

    for bb in range(B // 2):
        b = cid * (B // 2) + bb

        pltpu.sync_copy(idx_hbm.at[pl.ds(b * HW, HW)], idxv)
        pltpu.sync_copy(ft_hbm.at[pl.ds(b * C + col0, CPT)], ftile)

        @plsc.parallel_loop(0, K, 1, unroll=8)
        def _zero(k):
            c16 = zero16 + k
            for jv in range(_NCV):
                plsc.store_scatter(acc, [rows[jv], c16], fz16)

        @plsc.parallel_loop(0, HW, 1, unroll=8)
        def _scat(p):
            s16 = plsc.load_gather(idxv, [zero16 + p])
            pcol = zero16 + p
            for jv in range(_NCV):
                x16 = plsc.load_gather(ftile, [rows[jv], pcol])
                plsc.addupdate_scatter(acc, [rows[jv], s16], x16)

        pltpu.sync_copy(acc, g_hbm.at[pl.ds(b * C + col0, CPT)])


def _sc_scatter(ft_flat, idx_flat):
    mesh = plsc.VectorSubcoreMesh(core_axis_name="c", subcore_axis_name="s")
    fn = functools.partial(
        pl.kernel,
        mesh=mesh,
        compiler_params=pltpu.CompilerParams(
            use_tc_tiling_on_sc=False, needs_layout_passes=False),
        out_type=jax.ShapeDtypeStruct((B * C, K), jnp.float32),
        scratch_types=[
            pltpu.VMEM((CPT, HW), jnp.float32),
            pltpu.VMEM((CPT, K), jnp.float32),
            pltpu.VMEM((HW,), jnp.int32),
        ],
    )(_sc_body)
    return fn(ft_flat, idx_flat)



def _finish_body(f_ref, g_ref, cnt_ref, idx_ref, w_ref, b_ref, out_ref):
    f = f_ref[0]
    g = g_ref[0]
    cnt = cnt_ref[0]
    idx = idx_ref[0]
    cents = (g / jnp.maximum(cnt, 1.0)).astype(jnp.bfloat16)
    kio = lax.broadcasted_iota(jnp.int32, (K, HW), 0)
    mask = (kio == idx).astype(jnp.bfloat16)
    gath = lax.dot_general(cents, mask, (((1,), (0,)), ((), ())),
                           preferred_element_type=jnp.float32)
    delta = gath - f
    alpha = jnp.exp(-jnp.mean(delta * delta, axis=0, keepdims=True))
    x = f + alpha * delta
    out = lax.dot_general(w_ref[...], x, (((1,), (0,)), ((), ())),
                          preferred_element_type=jnp.float32)
    out_ref[0] = jnp.maximum(out + b_ref[...], 0.0)


def _finish(f3, g, cnt, idx3, Wfc, b2):
    return pl.pallas_call(
        _finish_body,
        grid=(B,),
        in_specs=[
            pl.BlockSpec((1, C, HW), lambda b: (b, 0, 0)),
            pl.BlockSpec((1, C, K), lambda b: (b, 0, 0)),
            pl.BlockSpec((1, 1, K), lambda b: (b, 0, 0)),
            pl.BlockSpec((1, 1, HW), lambda b: (b, 0, 0)),
            pl.BlockSpec((C, C), lambda b: (0, 0)),
            pl.BlockSpec((C, 1), lambda b: (0, 0)),
        ],
        out_specs=pl.BlockSpec((1, C, HW), lambda b: (b, 0, 0)),
        out_shape=jax.ShapeDtypeStruct((B, C, HW), jnp.float32),
    )(f3, g, cnt, idx3, Wfc, b2)



def kernel(features, centroids, Wfc, bfc):
    f3 = features.reshape(B, C, HW)
    cn = pl.pallas_call(
        _norm_body,
        out_shape=jax.ShapeDtypeStruct((K, C), jnp.bfloat16),
    )(centroids)
    idx3, cnt = _assign(f3, cn)
    g = _sc_scatter(features.reshape(B * C, HW), idx3.reshape(B * HW))
    out = _finish(f3, g.reshape(B, C, K), cnt, idx3, Wfc,
                  bfc.reshape(C, 1))
    return out.reshape(B, C, H, W_IMG)

# --- scband reference (transcript-rebuilt; emitter-appended) ---
"""Pipeline reference for scband-refine-88871463289316 (READ-ONLY COPY).

The authoritative reference and input builder live on the scoring server;
editing this copy changes nothing except your own understanding.
"""

import jax, jax.numpy as jnp
import numpy as np

B, C, H, W_SP, K = 8, 768, 32, 32, 1024


def _l2norm(x, axis):
    n = jnp.sqrt(jnp.sum(x * x, axis=axis, keepdims=True))
    return x / jnp.maximum(n, 1e-12)


def setup_inputs(seed: int = 0) -> dict:
    key = jax.random.key(seed)
    k1, k2, k3 = jax.random.split(key, 3)
    features = jax.random.normal(k1, (B, C, H, W_SP), dtype=jnp.float32)
    centroids = jax.random.normal(k2, (K, C), dtype=jnp.float32)
    # fc is a 1x1 conv initialized to identity; add small noise to emulate a trained weight
    Wfc = jnp.eye(C, dtype=jnp.float32) + 0.02 * jax.random.normal(k3, (C, C), dtype=jnp.float32)
    bfc = jnp.zeros((C,), dtype=jnp.float32)
    return {"features": features, "centroids": centroids, "Wfc": Wfc, "bfc": bfc}


def reference(features, centroids, Wfc, bfc):
    # eval-mode forward of Refine
    fn = _l2norm(features, axis=1)            # [B,C,H,W]
    cn = _l2norm(centroids, axis=1)           # [K,C]
    sim = jnp.einsum('bchw,nc->bnhw', fn, cn) # [B,K,H,W]
    idx = jnp.argmax(sim, axis=1)             # [B,H,W]
    mask = jax.nn.one_hot(idx, K, dtype=features.dtype)      # [B,H,W,K]
    mask = jnp.transpose(mask, (0, 3, 1, 2))                  # [B,K,H,W]
    sum_x = jnp.einsum('bnhw,bchw->bnc', mask, features)      # [B,K,C]
    count = jnp.sum(mask, axis=(2, 3))[:, :, None]            # [B,K,1]
    cents = sum_x / jnp.maximum(count, 1.0)                   # [B,K,C]
    delta = jnp.einsum('bnhw,bnc->bchw', mask, cents) - features
    alpha = jnp.exp(-jnp.mean(delta * delta, axis=1, keepdims=True))
    x = features + alpha * delta
    # 1x1 conv: einsum over channels + bias
    out = jnp.einsum('bchw,oc->bohw', x, Wfc) + bfc[None, :, None, None]
    return jax.nn.relu(out)

if __name__ == "__main__":
    import jax
    _d = setup_inputs()
    print(jax.jit(kernel)(*tuple(_d.values())))

</pallas_src>

<mosaic_0001>
#map = affine_map<(d0, d1) -> (0, 0)>
#map1 = affine_map<(d0, d1) -> (0)>
module attributes {stable_mosaic.version = 14 : i64} {
  func.func @_sc_body(%arg0: i32, %arg1: i32, %arg2: memref<6144x1024xf32, #tpu.memory_space<hbm>>, %arg3: memref<8192xi32, #tpu.memory_space<hbm>>, %arg4: memref<6144x1024xf32, #tpu.memory_space<hbm>>, %arg5: memref<48x1024xf32, #tpu.memory_space<vmem>>, %arg6: memref<48x1024xf32, #tpu.memory_space<vmem>>, %arg7: memref<1024xi32, #tpu.memory_space<vmem>>) attributes {dimension_semantics = [#tpu.dimension_semantics<core_parallel>, #tpu.dimension_semantics<subcore_parallel>], iteration_bounds = array<i64: 2, 16>, scalar_prefetch = 0 : i64, scratch_operands = 3 : i64, tpu.core_type = #tpu.core_type<sc_vector_subcore>, window_params = [{transform_indices = #map}, {transform_indices = #map1}, {transform_indices = #map}]} {
    %mul3A = arith.constant 48 : i32
    %mul3A_0 = arith.muli %arg1, %mul3A : i32
    %iota3A = tpu.iota {dimensions = array<i32: 0>} : vector<16xi32>
    %add3A = arith.constant 0 : i32
    %add3A_1 = vector.broadcast %add3A : i32 to vector<16xi32>
    %add3A_2 = arith.addi %add3A_1, %iota3A : vector<16xi32>
    %add3A_3 = arith.constant 16 : i32
    %add3A_4 = vector.broadcast %add3A_3 : i32 to vector<16xi32>
    %add3A_5 = arith.addi %add3A_4, %iota3A : vector<16xi32>
    %add3A_6 = arith.constant 32 : i32
    %add3A_7 = vector.broadcast %add3A_6 : i32 to vector<16xi32>
    %add3A_8 = arith.addi %add3A_7, %iota3A : vector<16xi32>
    %broadcast_in_dim3A = arith.constant 0 : i32
    %broadcast_in_dim3A_9 = vector.broadcast %broadcast_in_dim3A : i32 to vector<16xi32>
    %broadcast_in_dim3A_10 = arith.constant 0.000000e+00 : f32
    %broadcast_in_dim3A_11 = vector.broadcast %broadcast_in_dim3A_10 : f32 to vector<16xf32>
    %mul3A_12 = arith.constant 4 : i32
    %mul3A_13 = arith.muli %arg0, %mul3A_12 : i32
    %add3A_14 = arith.constant 0 : i32
    %add3A_15 = arith.addi %mul3A_13, %add3A_14 : i32
    %mul3A_16 = arith.constant 1024 : i32
    %mul3A_17 = arith.muli %add3A_15, %mul3A_16 : i32
    "tpu.region"() ({
      %run_scoped3A = tpu.sem_alloc : memref<!tpu.dma_semaphore, #tpu.memory_space<semaphore_mem>>
      %dma_start3A = tpu.memref_slice %arg3[%mul3A_17] : memref<8192xi32, #tpu.memory_space<hbm>> -> memref<1024xi32, #tpu.memory_space<hbm>>
      %dma_start3A_83 = tpu.memref_slice %arg3[%mul3A_17] : memref<8192xi32, #tpu.memory_space<hbm>> -> memref<1024xi32, #tpu.memory_space<hbm>>
      tpu.enqueue_dma source(%dma_start3A_83 : memref<1024xi32, #tpu.memory_space<hbm>>) target(%arg7 : memref<1024xi32, #tpu.memory_space<vmem>>) target_semaphore(%run_scoped3A : memref<!tpu.dma_semaphore, #tpu.memory_space<semaphore_mem>>)
      %dma_wait3A = tpu.memref_slice %arg3[%mul3A_17] : memref<8192xi32, #tpu.memory_space<hbm>> -> memref<1024xi32, #tpu.memory_space<hbm>>
      %dma_wait3A_84 = tpu.memref_slice %arg3[%mul3A_17] : memref<8192xi32, #tpu.memory_space<hbm>> -> memref<1024xi32, #tpu.memory_space<hbm>>
      tpu.wait_dma2 semaphore(%run_scoped3A : memref<!tpu.dma_semaphore, #tpu.memory_space<semaphore_mem>>) src(%dma_wait3A_84 : memref<1024xi32, #tpu.memory_space<hbm>>) dst(%arg7 : memref<1024xi32, #tpu.memory_space<vmem>>)
      tpu.yield
    }) : () -> ()
    %mul3A_18 = arith.constant 768 : i32
    %mul3A_19 = arith.muli %add3A_15, %mul3A_18 : i32
    %add3A_20 = arith.addi %mul3A_19, %mul3A_0 : i32
    "tpu.region"() ({
      %run_scoped3A = tpu.sem_alloc : memref<!tpu.dma_semaphore, #tpu.memory_space<semaphore_mem>>
      %dma_start3A = arith.constant 0 : i32
      %dma_start3A_83 = tpu.memref_slice %arg2[%add3A_20, %dma_start3A] : memref<6144x1024xf32, #tpu.memory_space<hbm>> -> memref<48x1024xf32, #tpu.memory_space<hbm>>
      %dma_start3A_84 = arith.constant 0 : i32
      %dma_start3A_85 = tpu.memref_slice %arg2[%add3A_20, %dma_start3A_84] : memref<6144x1024xf32, #tpu.memory_space<hbm>> -> memref<48x1024xf32, #tpu.memory_space<hbm>>
      tpu.enqueue_dma source(%dma_start3A_85 : memref<48x1024xf32, #tpu.memory_space<hbm>>) target(%arg5 : memref<48x1024xf32, #tpu.memory_space<vmem>>) target_semaphore(%run_scoped3A : memref<!tpu.dma_semaphore, #tpu.memory_space<semaphore_mem>>)
      %dma_wait3A = arith.constant 0 : i32
      %dma_wait3A_86 = tpu.memref_slice %arg2[%add3A_20, %dma_wait3A] : memref<6144x1024xf32, #tpu.memory_space<hbm>> -> memref<48x1024xf32, #tpu.memory_space<hbm>>
      %dma_wait3A_87 = arith.constant 0 : i32
      %dma_wait3A_88 = tpu.memref_slice %arg2[%add3A_20, %dma_wait3A_87] : memref<6144x1024xf32, #tpu.memory_space<hbm>> -> memref<48x1024xf32, #tpu.memory_space<hbm>>
      tpu.wait_dma2 semaphore(%run_scoped3A : memref<!tpu.dma_semaphore, #tpu.memory_space<semaphore_mem>>) src(%dma_wait3A_88 : memref<48x1024xf32, #tpu.memory_space<hbm>>) dst(%arg5 : memref<48x1024xf32, #tpu.memory_space<vmem>>)
      tpu.yield
    }) : () -> ()
    %parallel_loop3A = arith.constant 0 : i32
    %parallel_loop3A_21 = arith.constant 1024 : i32
    %parallel_loop3A_22 = arith.constant 1 : i32
    scf.for %parallel_loop3A_83 = %parallel_loop3A to %parallel_loop3A_21 step %parallel_loop3A_22  : i32 {
      %parallel_loop3A_84 = vector.broadcast %parallel_loop3A_83 : i32 to vector<16xi32>
      %parallel_loop3A_85 = arith.addi %broadcast_in_dim3A_9, %parallel_loop3A_84 : vector<16xi32>
      tpu.vector_store_idx %arg6[%add3A_2, %parallel_loop3A_85], %broadcast_in_dim3A_11 : memref<48x1024xf32, #tpu.memory_space<vmem>>[vector<16xi32>, vector<16xi32>], vector<16xf32>,
      tpu.vector_store_idx %arg6[%add3A_5, %parallel_loop3A_85], %broadcast_in_dim3A_11 : memref<48x1024xf32, #tpu.memory_space<vmem>>[vector<16xi32>, vector<16xi32>], vector<16xf32>,
      tpu.vector_store_idx %arg6[%add3A_8, %parallel_loop3A_85], %broadcast_in_dim3A_11 : memref<48x1024xf32, #tpu.memory_space<vmem>>[vector<16xi32>, vector<16xi32>], vector<16xf32>,
    } {sc.loop_unroll_factor = 8 : i64, sc.parallel_access}
    %parallel_loop3A_23 = arith.constant 0 : i32
    %parallel_loop3A_24 = arith.constant 1024 : i32
    %parallel_loop3A_25 = arith.constant 1 : i32
    scf.for %parallel_loop3A_83 = %parallel_loop3A_23 to %parallel_loop3A_24 step %parallel_loop3A_25  : i32 {
      %parallel_loop3A_84 = vector.broadcast %parallel_loop3A_83 : i32 to vector<16xi32>
      %parallel_loop3A_85 = arith.addi %broadcast_in_dim3A_9, %parallel_loop3A_84 : vector<16xi32>
      %parallel_loop3A_86 = tpu.vector_load_idx %arg7[%parallel_loop3A_85] : memref<1024xi32, #tpu.memory_space<vmem>>[vector<16xi32>], vector<16xi32>,
      %parallel_loop3A_87 = vector.broadcast %parallel_loop3A_83 : i32 to vector<16xi32>
      %parallel_loop3A_88 = arith.addi %broadcast_in_dim3A_9, %parallel_loop3A_87 : vector<16xi32>
      %parallel_loop3A_89 = tpu.vector_load_idx %arg5[%add3A_2, %parallel_loop3A_88] : memref<48x1024xf32, #tpu.memory_space<vmem>>[vector<16xi32>, vector<16xi32>], vector<16xf32>,
      tpu.vector_store_idx %arg6[%add3A_2, %parallel_loop3A_86], %parallel_loop3A_89 {add = true} : memref<48x1024xf32, #tpu.memory_space<vmem>>[vector<16xi32>, vector<16xi32>], vector<16xf32>,
      %parallel_loop3A_90 = tpu.vector_load_idx %arg5[%add3A_5, %parallel_loop3A_88] : memref<48x1024xf32, #tpu.memory_space<vmem>>[vector<16xi32>, vector<16xi32>], vector<16xf32>,
      tpu.vector_store_idx %arg6[%add3A_5, %parallel_loop3A_86], %parallel_loop3A_90 {add = true} : memref<48x1024xf32, #tpu.memory_space<vmem>>[vector<16xi32>, vector<16xi32>], vector<16xf32>,
      %parallel_loop3A_91 = tpu.vector_load_idx %arg5[%add3A_8, %parallel_loop3A_88] : memref<48x1024xf32, #tpu.memory_space<vmem>>[vector<16xi32>, vector<16xi32>], vector<16xf32>,
      tpu.vector_store_idx %arg6[%add3A_8, %parallel_loop3A_86], %parallel_loop3A_91 {add = true} : memref<48x1024xf32, #tpu.memory_space<vmem>>[vector<16xi32>, vector<16xi32>], vector<16xf32>,
    } {sc.loop_unroll_factor = 8 : i64, sc.parallel_access}
    %mul3A_26 = arith.constant 768 : i32
    %mul3A_27 = arith.muli %add3A_15, %mul3A_26 : i32
    %add3A_28 = arith.addi %mul3A_27, %mul3A_0 : i32
    "tpu.region"() ({
      %run_scoped3A = tpu.sem_alloc : memref<!tpu.dma_semaphore, #tpu.memory_space<semaphore_mem>>
      %dma_start3A = arith.constant 0 : i32
      %dma_start3A_83 = tpu.memref_slice %arg4[%add3A_28, %dma_start3A] : memref<6144x1024xf32, #tpu.memory_space<hbm>> -> memref<48x1024xf32, #tpu.memory_space<hbm>>
      %dma_start3A_84 = arith.constant 0 : i32
      %dma_start3A_85 = tpu.memref_slice %arg4[%add3A_28, %dma_start3A_84] : memref<6144x1024xf32, #tpu.memory_space<hbm>> -> memref<48x1024xf32, #tpu.memory_space<hbm>>
      tpu.enqueue_dma source(%arg6 : memref<48x1024xf32, #tpu.memory_space<vmem>>) target(%dma_start3A_85 : memref<48x1024xf32, #tpu.memory_space<hbm>>) target_semaphore(%run_scoped3A : memref<!tpu.dma_semaphore, #tpu.memory_space<semaphore_mem>>)
      %dma_wait3A = arith.constant 0 : i32
      %dma_wait3A_86 = tpu.memref_slice %arg4[%add3A_28, %dma_wait3A] : memref<6144x1024xf32, #tpu.memory_space<hbm>> -> memref<48x1024xf32, #tpu.memory_space<hbm>>
      %dma_wait3A_87 = arith.constant 0 : i32
      %dma_wait3A_88 = tpu.memref_slice %arg4[%add3A_28, %dma_wait3A_87] : memref<6144x1024xf32, #tpu.memory_space<hbm>> -> memref<48x1024xf32, #tpu.memory_space<hbm>>
      tpu.wait_dma2 semaphore(%run_scoped3A : memref<!tpu.dma_semaphore, #tpu.memory_space<semaphore_mem>>) src(%arg6 : memref<48x1024xf32, #tpu.memory_space<vmem>>) dst(%dma_wait3A_88 : memref<48x1024xf32, #tpu.memory_space<hbm>>)
      tpu.yield
    }) : () -> ()
    %mul3A_29 = arith.constant 4 : i32
    %mul3A_30 = arith.muli %arg0, %mul3A_29 : i32
    %add3A_31 = arith.constant 1 : i32
    %add3A_32 = arith.addi %mul3A_30, %add3A_31 : i32
    %mul3A_33 = arith.constant 1024 : i32
    %mul3A_34 = arith.muli %add3A_32, %mul3A_33 : i32
    "tpu.region"() ({
      %run_scoped3A = tpu.sem_alloc : memref<!tpu.dma_semaphore, #tpu.memory_space<semaphore_mem>>
      %dma_start3A = tpu.memref_slice %arg3[%mul3A_34] : memref<8192xi32, #tpu.memory_space<hbm>> -> memref<1024xi32, #tpu.memory_space<hbm>>
      %dma_start3A_83 = tpu.memref_slice %arg3[%mul3A_34] : memref<8192xi32, #tpu.memory_space<hbm>> -> memref<1024xi32, #tpu.memory_space<hbm>>
      tpu.enqueue_dma source(%dma_start3A_83 : memref<1024xi32, #tpu.memory_space<hbm>>) target(%arg7 : memref<1024xi32, #tpu.memory_space<vmem>>) target_semaphore(%run_scoped3A : memref<!tpu.dma_semaphore, #tpu.memory_space<semaphore_mem>>)
      %dma_wait3A = tpu.memref_slice %arg3[%mul3A_34] : memref<8192xi32, #tpu.memory_space<hbm>> -> memref<1024xi32, #tpu.memory_space<hbm>>
      %dma_wait3A_84 = tpu.memref_slice %arg3[%mul3A_34] : memref<8192xi32, #tpu.memory_space<hbm>> -> memref<1024xi32, #tpu.memory_space<hbm>>
      tpu.wait_dma2 semaphore(%run_scoped3A : memref<!tpu.dma_semaphore, #tpu.memory_space<semaphore_mem>>) src(%dma_wait3A_84 : memref<1024xi32, #tpu.memory_space<hbm>>) dst(%arg7 : memref<1024xi32, #tpu.memory_space<vmem>>)
      tpu.yield
    }) : () -> ()
    %mul3A_35 = arith.constant 768 : i32
    %mul3A_36 = arith.muli %add3A_32, %mul3A_35 : i32
    %add3A_37 = arith.addi %mul3A_36, %mul3A_0 : i32
    "tpu.region"() ({
      %run_scoped3A = tpu.sem_alloc : memref<!tpu.dma_semaphore, #tpu.memory_space<semaphore_mem>>
      %dma_start3A = arith.constant 0 : i32
      %dma_start3A_83 = tpu.memref_slice %arg2[%add3A_37, %dma_start3A] : memref<6144x1024xf32, #tpu.memory_space<hbm>> -> memref<48x1024xf32, #tpu.memory_space<hbm>>
      %dma_start3A_84 = arith.constant 0 : i32
      %dma_start3A_85 = tpu.memref_slice %arg2[%add3A_37, %dma_start3A_84] : memref<6144x1024xf32, #tpu.memory_space<hbm>> -> memref<48x1024xf32, #tpu.memory_space<hbm>>
      tpu.enqueue_dma source(%dma_start3A_85 : memref<48x1024xf32, #tpu.memory_space<hbm>>) target(%arg5 : memref<48x1024xf32, #tpu.memory_space<vmem>>) target_semaphore(%run_scoped3A : memref<!tpu.dma_semaphore, #tpu.memory_space<semaphore_mem>>)
      %dma_wait3A = arith.constant 0 : i32
      %dma_wait3A_86 = tpu.memref_slice %arg2[%add3A_37, %dma_wait3A] : memref<6144x1024xf32, #tpu.memory_space<hbm>> -> memref<48x1024xf32, #tpu.memory_space<hbm>>
      %dma_wait3A_87 = arith.constant 0 : i32
      %dma_wait3A_88 = tpu.memref_slice %arg2[%add3A_37, %dma_wait3A_87] : memref<6144x1024xf32, #tpu.memory_space<hbm>> -> memref<48x1024xf32, #tpu.memory_space<hbm>>
      tpu.wait_dma2 semaphore(%run_scoped3A : memref<!tpu.dma_semaphore, #tpu.memory_space<semaphore_mem>>) src(%dma_wait3A_88 : memref<48x1024xf32, #tpu.memory_space<hbm>>) dst(%arg5 : memref<48x1024xf32, #tpu.memory_space<vmem>>)
      tpu.yield
    }) : () -> ()
    %parallel_loop3A_38 = arith.constant 0 : i32
    %parallel_loop3A_39 = arith.constant 1024 : i32
    %parallel_loop3A_40 = arith.constant 1 : i32
    scf.for %parallel_loop3A_83 = %parallel_loop3A_38 to %parallel_loop3A_39 step %parallel_loop3A_40  : i32 {
      %parallel_loop3A_84 = vector.broadcast %parallel_loop3A_83 : i32 to vector<16xi32>
      %parallel_loop3A_85 = arith.addi %broadcast_in_dim3A_9, %parallel_loop3A_84 : vector<16xi32>
      tpu.vector_store_idx %arg6[%add3A_2, %parallel_loop3A_85], %broadcast_in_dim3A_11 : memref<48x1024xf32, #tpu.memory_space<vmem>>[vector<16xi32>, vector<16xi32>], vector<16xf32>,
      tpu.vector_store_idx %arg6[%add3A_5, %parallel_loop3A_85], %broadcast_in_dim3A_11 : memref<48x1024xf32, #tpu.memory_space<vmem>>[vector<16xi32>, vector<16xi32>], vector<16xf32>,
      tpu.vector_store_idx %arg6[%add3A_8, %parallel_loop3A_85], %broadcast_in_dim3A_11 : memref<48x1024xf32, #tpu.memory_space<vmem>>[vector<16xi32>, vector<16xi32>], vector<16xf32>,
    } {sc.loop_unroll_factor = 8 : i64, sc.parallel_access}
    %parallel_loop3A_41 = arith.constant 0 : i32
    %parallel_loop3A_42 = arith.constant 1024 : i32
    %parallel_loop3A_43 = arith.constant 1 : i32
    scf.for %parallel_loop3A_83 = %parallel_loop3A_41 to %parallel_loop3A_42 step %parallel_loop3A_43  : i32 {
      %parallel_loop3A_84 = vector.broadcast %parallel_loop3A_83 : i32 to vector<16xi32>
      %parallel_loop3A_85 = arith.addi %broadcast_in_dim3A_9, %parallel_loop3A_84 : vector<16xi32>
      %parallel_loop3A_86 = tpu.vector_load_idx %arg7[%parallel_loop3A_85] : memref<1024xi32, #tpu.memory_space<vmem>>[vector<16xi32>], vector<16xi32>,
      %parallel_loop3A_87 = vector.broadcast %parallel_loop3A_83 : i32 to vector<16xi32>
      %parallel_loop3A_88 = arith.addi %broadcast_in_dim3A_9, %parallel_loop3A_87 : vector<16xi32>
      %parallel_loop3A_89 = tpu.vector_load_idx %arg5[%add3A_2, %parallel_loop3A_88] : memref<48x1024xf32, #tpu.memory_space<vmem>>[vector<16xi32>, vector<16xi32>], vector<16xf32>,
      tpu.vector_store_idx %arg6[%add3A_2, %parallel_loop3A_86], %parallel_loop3A_89 {add = true} : memref<48x1024xf32, #tpu.memory_space<vmem>>[vector<16xi32>, vector<16xi32>], vector<16xf32>,
      %parallel_loop3A_90 = tpu.vector_load_idx %arg5[%add3A_5, %parallel_loop3A_88] : memref<48x1024xf32, #tpu.memory_space<vmem>>[vector<16xi32>, vector<16xi32>], vector<16xf32>,
      tpu.vector_store_idx %arg6[%add3A_5, %parallel_loop3A_86], %parallel_loop3A_90 {add = true} : memref<48x1024xf32, #tpu.memory_space<vmem>>[vector<16xi32>, vector<16xi32>], vector<16xf32>,
      %parallel_loop3A_91 = tpu.vector_load_idx %arg5[%add3A_8, %parallel_loop3A_88] : memref<48x1024xf32, #tpu.memory_space<vmem>>[vector<16xi32>, vector<16xi32>], vector<16xf32>,
      tpu.vector_store_idx %arg6[%add3A_8, %parallel_loop3A_86], %parallel_loop3A_91 {add = true} : memref<48x1024xf32, #tpu.memory_space<vmem>>[vector<16xi32>, vector<16xi32>], vector<16xf32>,
    } {sc.loop_unroll_factor = 8 : i64, sc.parallel_access}
    %mul3A_44 = arith.constant 768 : i32
    %mul3A_45 = arith.muli %add3A_32, %mul3A_44 : i32
    %add3A_46 = arith.addi %mul3A_45, %mul3A_0 : i32
    "tpu.region"() ({
      %run_scoped3A = tpu.sem_alloc : memref<!tpu.dma_semaphore, #tpu.memory_space<semaphore_mem>>
      %dma_start3A = arith.constant 0 : i32
      %dma_start3A_83 = tpu.memref_slice %arg4[%add3A_46, %dma_start3A] : memref<6144x1024xf32, #tpu.memory_space<hbm>> -> memref<48x1024xf32, #tpu.memory_space<hbm>>
      %dma_start3A_84 = arith.constant 0 : i32
      %dma_start3A_85 = tpu.memref_slice %arg4[%add3A_46, %dma_start3A_84] : memref<6144x1024xf32, #tpu.memory_space<hbm>> -> memref<48x1024xf32, #tpu.memory_space<hbm>>
      tpu.enqueue_dma source(%arg6 : memref<48x1024xf32, #tpu.memory_space<vmem>>) target(%dma_start3A_85 : memref<48x1024xf32, #tpu.memory_space<hbm>>) target_semaphore(%run_scoped3A : memref<!tpu.dma_semaphore, #tpu.memory_space<semaphore_mem>>)
      %dma_wait3A = arith.constant 0 : i32
      %dma_wait3A_86 = tpu.memref_slice %arg4[%add3A_46, %dma_wait3A] : memref<6144x1024xf32, #tpu.memory_space<hbm>> -> memref<48x1024xf32, #tpu.memory_space<hbm>>
      %dma_wait3A_87 = arith.constant 0 : i32
      %dma_wait3A_88 = tpu.memref_slice %arg4[%add3A_46, %dma_wait3A_87] : memref<6144x1024xf32, #tpu.memory_space<hbm>> -> memref<48x1024xf32, #tpu.memory_space<hbm>>
      tpu.wait_dma2 semaphore(%run_scoped3A : memref<!tpu.dma_semaphore, #tpu.memory_space<semaphore_mem>>) src(%arg6 : memref<48x1024xf32, #tpu.memory_space<vmem>>) dst(%dma_wait3A_88 : memref<48x1024xf32, #tpu.memory_space<hbm>>)
      tpu.yield
    }) : () -> ()
    %mul3A_47 = arith.constant 4 : i32
    %mul3A_48 = arith.muli %arg0, %mul3A_47 : i32
    %add3A_49 = arith.constant 2 : i32
    %add3A_50 = arith.addi %mul3A_48, %add3A_49 : i32
    %mul3A_51 = arith.constant 1024 : i32
    %mul3A_52 = arith.muli %add3A_50, %mul3A_51 : i32
    "tpu.region"() ({
      %run_scoped3A = tpu.sem_alloc : memref<!tpu.dma_semaphore, #tpu.memory_space<semaphore_mem>>
      %dma_start3A = tpu.memref_slice %arg3[%mul3A_52] : memref<8192xi32, #tpu.memory_space<hbm>> -> memref<1024xi32, #tpu.memory_space<hbm>>
      %dma_start3A_83 = tpu.memref_slice %arg3[%mul3A_52] : memref<8192xi32, #tpu.memory_space<hbm>> -> memref<1024xi32, #tpu.memory_space<hbm>>
      tpu.enqueue_dma source(%dma_start3A_83 : memref<1024xi32, #tpu.memory_space<hbm>>) target(%arg7 : memref<1024xi32, #tpu.memory_space<vmem>>) target_semaphore(%run_scoped3A : memref<!tpu.dma_semaphore, #tpu.memory_space<semaphore_mem>>)
      %dma_wait3A = tpu.memref_slice %arg3[%mul3A_52] : memref<8192xi32, #tpu.memory_space<hbm>> -> memref<1024xi32, #tpu.memory_space<hbm>>
      %dma_wait3A_84 = tpu.memref_slice %arg3[%mul3A_52] : memref<8192xi32, #tpu.memory_space<hbm>> -> memref<1024xi32, #tpu.memory_space<hbm>>
      tpu.wait_dma2 semaphore(%run_scoped3A : memref<!tpu.dma_semaphore, #tpu.memory_space<semaphore_mem>>) src(%dma_wait3A_84 : memref<1024xi32, #tpu.memory_space<hbm>>) dst(%arg7 : memref<1024xi32, #tpu.memory_space<vmem>>)
      tpu.yield
    }) : () -> ()
    %mul3A_53 = arith.constant 768 : i32
    %mul3A_54 = arith.muli %add3A_50, %mul3A_53 : i32
    %add3A_55 = arith.addi %mul3A_54, %mul3A_0 : i32
    "tpu.region"() ({
      %run_scoped3A = tpu.sem_alloc : memref<!tpu.dma_semaphore, #tpu.memory_space<semaphore_mem>>
      %dma_start3A = arith.constant 0 : i32
      %dma_start3A_83 = tpu.memref_slice %arg2[%add3A_55, %dma_start3A] : memref<6144x1024xf32, #tpu.memory_space<hbm>> -> memref<48x1024xf32, #tpu.memory_space<hbm>>
      %dma_start3A_84 = arith.constant 0 : i32
      %dma_start3A_85 = tpu.memref_slice %arg2[%add3A_55, %dma_start3A_84] : memref<6144x1024xf32, #tpu.memory_space<hbm>> -> memref<48x1024xf32, #tpu.memory_space<hbm>>
      tpu.enqueue_dma source(%dma_start3A_85 : memref<48x1024xf32, #tpu.memory_space<hbm>>) target(%arg5 : memref<48x1024xf32, #tpu.memory_space<vmem>>) target_semaphore(%run_scoped3A : memref<!tpu.dma_semaphore, #tpu.memory_space<semaphore_mem>>)
      %dma_wait3A = arith.constant 0 : i32
      %dma_wait3A_86 = tpu.memref_slice %arg2[%add3A_55, %dma_wait3A] : memref<6144x1024xf32, #tpu.memory_space<hbm>> -> memref<48x1024xf32, #tpu.memory_space<hbm>>
      %dma_wait3A_87 = arith.constant 0 : i32
      %dma_wait3A_88 = tpu.memref_slice %arg2[%add3A_55, %dma_wait3A_87] : memref<6144x1024xf32, #tpu.memory_space<hbm>> -> memref<48x1024xf32, #tpu.memory_space<hbm>>
      tpu.wait_dma2 semaphore(%run_scoped3A : memref<!tpu.dma_semaphore, #tpu.memory_space<semaphore_mem>>) src(%dma_wait3A_88 : memref<48x1024xf32, #tpu.memory_space<hbm>>) dst(%arg5 : memref<48x1024xf32, #tpu.memory_space<vmem>>)
      tpu.yield
    }) : () -> ()
    %parallel_loop3A_56 = arith.constant 0 : i32
    %parallel_loop3A_57 = arith.constant 1024 : i32
    %parallel_loop3A_58 = arith.constant 1 : i32
    scf.for %parallel_loop3A_83 = %parallel_loop3A_56 to %parallel_loop3A_57 step %parallel_loop3A_58  : i32 {
      %parallel_loop3A_84 = vector.broadcast %parallel_loop3A_83 : i32 to vector<16xi32>
      %parallel_loop3A_85 = arith.addi %broadcast_in_dim3A_9, %parallel_loop3A_84 : vector<16xi32>
      tpu.vector_store_idx %arg6[%add3A_2, %parallel_loop3A_85], %broadcast_in_dim3A_11 : memref<48x1024xf32, #tpu.memory_space<vmem>>[vector<16xi32>, vector<16xi32>], vector<16xf32>,
      tpu.vector_store_idx %arg6[%add3A_5, %parallel_loop3A_85], %broadcast_in_dim3A_11 : memref<48x1024xf32, #tpu.memory_space<vmem>>[vector<16xi32>, vector<16xi32>], vector<16xf32>,
      tpu.vector_store_idx %arg6[%add3A_8, %parallel_loop3A_85], %broadcast_in_dim3A_11 : memref<48x1024xf32, #tpu.memory_space<vmem>>[vector<16xi32>, vector<16xi32>], vector<16xf32>,
    } {sc.loop_unroll_factor = 8 : i64, sc.parallel_access}
    %parallel_loop3A_59 = arith.constant 0 : i32
    %parallel_loop3A_60 = arith.constant 1024 : i32
    %parallel_loop3A_61 = arith.constant 1 : i32
    scf.for %parallel_loop3A_83 = %parallel_loop3A_59 to %parallel_loop3A_60 step %parallel_loop3A_61  : i32 {
      %parallel_loop3A_84 = vector.broadcast %parallel_loop3A_83 : i32 to vector<16xi32>
      %parallel_loop3A_85 = arith.addi %broadcast_in_dim3A_9, %parallel_loop3A_84 : vector<16xi32>
      %parallel_loop3A_86 = tpu.vector_load_idx %arg7[%parallel_loop3A_85] : memref<1024xi32, #tpu.memory_space<vmem>>[vector<16xi32>], vector<16xi32>,
      %parallel_loop3A_87 = vector.broadcast %parallel_loop3A_83 : i32 to vector<16xi32>
      %parallel_loop3A_88 = arith.addi %broadcast_in_dim3A_9, %parallel_loop3A_87 : vector<16xi32>
      %parallel_loop3A_89 = tpu.vector_load_idx %arg5[%add3A_2, %parallel_loop3A_88] : memref<48x1024xf32, #tpu.memory_space<vmem>>[vector<16xi32>, vector<16xi32>], vector<16xf32>,
      tpu.vector_store_idx %arg6[%add3A_2, %parallel_loop3A_86], %parallel_loop3A_89 {add = true} : memref<48x1024xf32, #tpu.memory_space<vmem>>[vector<16xi32>, vector<16xi32>], vector<16xf32>,
      %parallel_loop3A_90 = tpu.vector_load_idx %arg5[%add3A_5, %parallel_loop3A_88] : memref<48x1024xf32, #tpu.memory_space<vmem>>[vector<16xi32>, vector<16xi32>], vector<16xf32>,
      tpu.vector_store_idx %arg6[%add3A_5, %parallel_loop3A_86], %parallel_loop3A_90 {add = true} : memref<48x1024xf32, #tpu.memory_space<vmem>>[vector<16xi32>, vector<16xi32>], vector<16xf32>,
      %parallel_loop3A_91 = tpu.vector_load_idx %arg5[%add3A_8, %parallel_loop3A_88] : memref<48x1024xf32, #tpu.memory_space<vmem>>[vector<16xi32>, vector<16xi32>], vector<16xf32>,
      tpu.vector_store_idx %arg6[%add3A_8, %parallel_loop3A_86], %parallel_loop3A_91 {add = true} : memref<48x1024xf32, #tpu.memory_space<vmem>>[vector<16xi32>, vector<16xi32>], vector<16xf32>,
    } {sc.loop_unroll_factor = 8 : i64, sc.parallel_access}
    %mul3A_62 = arith.constant 768 : i32
    %mul3A_63 = arith.muli %add3A_50, %mul3A_62 : i32
    %add3A_64 = arith.addi %mul3A_63, %mul3A_0 : i32
    "tpu.region"() ({
      %run_scoped3A = tpu.sem_alloc : memref<!tpu.dma_semaphore, #tpu.memory_space<semaphore_mem>>
      %dma_start3A = arith.constant 0 : i32
      %dma_start3A_83 = tpu.memref_slice %arg4[%add3A_64, %dma_start3A] : memref<6144x1024xf32, #tpu.memory_space<hbm>> -> memref<48x1024xf32, #tpu.memory_space<hbm>>
      %dma_start3A_84 = arith.constant 0 : i32
      %dma_start3A_85 = tpu.memref_slice %arg4[%add3A_64, %dma_start3A_84] : memref<6144x1024xf32, #tpu.memory_space<hbm>> -> memref<48x1024xf32, #tpu.memory_space<hbm>>
      tpu.enqueue_dma source(%arg6 : memref<48x1024xf32, #tpu.memory_space<vmem>>) target(%dma_start3A_85 : memref<48x1024xf32, #tpu.memory_space<hbm>>) target_semaphore(%run_scoped3A : memref<!tpu.dma_semaphore, #tpu.memory_space<semaphore_mem>>)
      %dma_wait3A = arith.constant 0 : i32
      %dma_wait3A_86 = tpu.memref_slice %arg4[%add3A_64, %dma_wait3A] : memref<6144x1024xf32, #tpu.memory_space<hbm>> -> memref<48x1024xf32, #tpu.memory_space<hbm>>
      %dma_wait3A_87 = arith.constant 0 : i32
      %dma_wait3A_88 = tpu.memref_slice %arg4[%add3A_64, %dma_wait3A_87] : memref<6144x1024xf32, #tpu.memory_space<hbm>> -> memref<48x1024xf32, #tpu.memory_space<hbm>>
      tpu.wait_dma2 semaphore(%run_scoped3A : memref<!tpu.dma_semaphore, #tpu.memory_space<semaphore_mem>>) src(%arg6 : memref<48x1024xf32, #tpu.memory_space<vmem>>) dst(%dma_wait3A_88 : memref<48x1024xf32, #tpu.memory_space<hbm>>)
      tpu.yield
    }) : () -> ()
    %mul3A_65 = arith.constant 4 : i32
    %mul3A_66 = arith.muli %arg0, %mul3A_65 : i32
    %add3A_67 = arith.constant 3 : i32
    %add3A_68 = arith.addi %mul3A_66, %add3A_67 : i32
    %mul3A_69 = arith.constant 1024 : i32
    %mul3A_70 = arith.muli %add3A_68, %mul3A_69 : i32
    "tpu.region"() ({
      %run_scoped3A = tpu.sem_alloc : memref<!tpu.dma_semaphore, #tpu.memory_space<semaphore_mem>>
      %dma_start3A = tpu.memref_slice %arg3[%mul3A_70] : memref<8192xi32, #tpu.memory_space<hbm>> -> memref<1024xi32, #tpu.memory_space<hbm>>
      %dma_start3A_83 = tpu.memref_slice %arg3[%mul3A_70] : memref<8192xi32, #tpu.memory_space<hbm>> -> memref<1024xi32, #tpu.memory_space<hbm>>
      tpu.enqueue_dma source(%dma_start3A_83 : memref<1024xi32, #tpu.memory_space<hbm>>) target(%arg7 : memref<1024xi32, #tpu.memory_space<vmem>>) target_semaphore(%run_scoped3A : memref<!tpu.dma_semaphore, #tpu.memory_space<semaphore_mem>>)
      %dma_wait3A = tpu.memref_slice %arg3[%mul3A_70] : memref<8192xi32, #tpu.memory_space<hbm>> -> memref<1024xi32, #tpu.memory_space<hbm>>
      %dma_wait3A_84 = tpu.memref_slice %arg3[%mul3A_70] : memref<8192xi32, #tpu.memory_space<hbm>> -> memref<1024xi32, #tpu.memory_space<hbm>>
      tpu.wait_dma2 semaphore(%run_scoped3A : memref<!tpu.dma_semaphore, #tpu.memory_space<semaphore_mem>>) src(%dma_wait3A_84 : memref<1024xi32, #tpu.memory_space<hbm>>) dst(%arg7 : memref<1024xi32, #tpu.memory_space<vmem>>)
      tpu.yield
    }) : () -> ()
    %mul3A_71 = arith.constant 768 : i32
    %mul3A_72 = arith.muli %add3A_68, %mul3A_71 : i32
    %add3A_73 = arith.addi %mul3A_72, %mul3A_0 : i32
    "tpu.region"() ({
      %run_scoped3A = tpu.sem_alloc : memref<!tpu.dma_semaphore, #tpu.memory_space<semaphore_mem>>
      %dma_start3A = arith.constant 0 : i32
      %dma_start3A_83 = tpu.memref_slice %arg2[%add3A_73, %dma_start3A] : memref<6144x1024xf32, #tpu.memory_space<hbm>> -> memref<48x1024xf32, #tpu.memory_space<hbm>>
      %dma_start3A_84 = arith.constant 0 : i32
      %dma_start3A_85 = tpu.memref_slice %arg2[%add3A_73, %dma_start3A_84] : memref<6144x1024xf32, #tpu.memory_space<hbm>> -> memref<48x1024xf32, #tpu.memory_space<hbm>>
      tpu.enqueue_dma source(%dma_start3A_85 : memref<48x1024xf32, #tpu.memory_space<hbm>>) target(%arg5 : memref<48x1024xf32, #tpu.memory_space<vmem>>) target_semaphore(%run_scoped3A : memref<!tpu.dma_semaphore, #tpu.memory_space<semaphore_mem>>)
      %dma_wait3A = arith.constant 0 : i32
      %dma_wait3A_86 = tpu.memref_slice %arg2[%add3A_73, %dma_wait3A] : memref<6144x1024xf32, #tpu.memory_space<hbm>> -> memref<48x1024xf32, #tpu.memory_space<hbm>>
      %dma_wait3A_87 = arith.constant 0 : i32
      %dma_wait3A_88 = tpu.memref_slice %arg2[%add3A_73, %dma_wait3A_87] : memref<6144x1024xf32, #tpu.memory_space<hbm>> -> memref<48x1024xf32, #tpu.memory_space<hbm>>
      tpu.wait_dma2 semaphore(%run_scoped3A : memref<!tpu.dma_semaphore, #tpu.memory_space<semaphore_mem>>) src(%dma_wait3A_88 : memref<48x1024xf32, #tpu.memory_space<hbm>>) dst(%arg5 : memref<48x1024xf32, #tpu.memory_space<vmem>>)
      tpu.yield
    }) : () -> ()
    %parallel_loop3A_74 = arith.constant 0 : i32
    %parallel_loop3A_75 = arith.constant 1024 : i32
    %parallel_loop3A_76 = arith.constant 1 : i32
    scf.for %parallel_loop3A_83 = %parallel_loop3A_74 to %parallel_loop3A_75 step %parallel_loop3A_76  : i32 {
      %parallel_loop3A_84 = vector.broadcast %parallel_loop3A_83 : i32 to vector<16xi32>
      %parallel_loop3A_85 = arith.addi %broadcast_in_dim3A_9, %parallel_loop3A_84 : vector<16xi32>
      tpu.vector_store_idx %arg6[%add3A_2, %parallel_loop3A_85], %broadcast_in_dim3A_11 : memref<48x1024xf32, #tpu.memory_space<vmem>>[vector<16xi32>, vector<16xi32>], vector<16xf32>,
      tpu.vector_store_idx %arg6[%add3A_5, %parallel_loop3A_85], %broadcast_in_dim3A_11 : memref<48x1024xf32, #tpu.memory_space<vmem>>[vector<16xi32>, vector<16xi32>], vector<16xf32>,
      tpu.vector_store_idx %arg6[%add3A_8, %parallel_loop3A_85], %broadcast_in_dim3A_11 : memref<48x1024xf32, #tpu.memory_space<vmem>>[vector<16xi32>, vector<16xi32>], vector<16xf32>,
    } {sc.loop_unroll_factor = 8 : i64, sc.parallel_access}
    %parallel_loop3A_77 = arith.constant 0 : i32
    %parallel_loop3A_78 = arith.constant 1024 : i32
    %parallel_loop3A_79 = arith.constant 1 : i32
    scf.for %parallel_loop3A_83 = %parallel_loop3A_77 to %parallel_loop3A_78 step %parallel_loop3A_79  : i32 {
      %parallel_loop3A_84 = vector.broadcast %parallel_loop3A_83 : i32 to vector<16xi32>
      %parallel_loop3A_85 = arith.addi %broadcast_in_dim3A_9, %parallel_loop3A_84 : vector<16xi32>
      %parallel_loop3A_86 = tpu.vector_load_idx %arg7[%parallel_loop3A_85] : memref<1024xi32, #tpu.memory_space<vmem>>[vector<16xi32>], vector<16xi32>,
      %parallel_loop3A_87 = vector.broadcast %parallel_loop3A_83 : i32 to vector<16xi32>
      %parallel_loop3A_88 = arith.addi %broadcast_in_dim3A_9, %parallel_loop3A_87 : vector<16xi32>
      %parallel_loop3A_89 = tpu.vector_load_idx %arg5[%add3A_2, %parallel_loop3A_88] : memref<48x1024xf32, #tpu.memory_space<vmem>>[vector<16xi32>, vector<16xi32>], vector<16xf32>,
      tpu.vector_store_idx %arg6[%add3A_2, %parallel_loop3A_86], %parallel_loop3A_89 {add = true} : memref<48x1024xf32, #tpu.memory_space<vmem>>[vector<16xi32>, vector<16xi32>], vector<16xf32>,
      %parallel_loop3A_90 = tpu.vector_load_idx %arg5[%add3A_5, %parallel_loop3A_88] : memref<48x1024xf32, #tpu.memory_space<vmem>>[vector<16xi32>, vector<16xi32>], vector<16xf32>,
      tpu.vector_store_idx %arg6[%add3A_5, %parallel_loop3A_86], %parallel_loop3A_90 {add = true} : memref<48x1024xf32, #tpu.memory_space<vmem>>[vector<16xi32>, vector<16xi32>], vector<16xf32>,
      %parallel_loop3A_91 = tpu.vector_load_idx %arg5[%add3A_8, %parallel_loop3A_88] : memref<48x1024xf32, #tpu.memory_space<vmem>>[vector<16xi32>, vector<16xi32>], vector<16xf32>,
      tpu.vector_store_idx %arg6[%add3A_8, %parallel_loop3A_86], %parallel_loop3A_91 {add = true} : memref<48x1024xf32, #tpu.memory_space<vmem>>[vector<16xi32>, vector<16xi32>], vector<16xf32>,
    } {sc.loop_unroll_factor = 8 : i64, sc.parallel_access}
    %mul3A_80 = arith.constant 768 : i32
    %mul3A_81 = arith.muli %add3A_68, %mul3A_80 : i32
    %add3A_82 = arith.addi %mul3A_81, %mul3A_0 : i32
    "tpu.region"() ({
      %run_scoped3A = tpu.sem_alloc : memref<!tpu.dma_semaphore, #tpu.memory_space<semaphore_mem>>
      %dma_start3A = arith.constant 0 : i32
      %dma_start3A_83 = tpu.memref_slice %arg4[%add3A_82, %dma_start3A] : memref<6144x1024xf32, #tpu.memory_space<hbm>> -> memref<48x1024xf32, #tpu.memory_space<hbm>>
      %dma_start3A_84 = arith.constant 0 : i32
      %dma_start3A_85 = tpu.memref_slice %arg4[%add3A_82, %dma_start3A_84] : memref<6144x1024xf32, #tpu.memory_space<hbm>> -> memref<48x1024xf32, #tpu.memory_space<hbm>>
      tpu.enqueue_dma source(%arg6 : memref<48x1024xf32, #tpu.memory_space<vmem>>) target(%dma_start3A_85 : memref<48x1024xf32, #tpu.memory_space<hbm>>) target_semaphore(%run_scoped3A : memref<!tpu.dma_semaphore, #tpu.memory_space<semaphore_mem>>)
      %dma_wait3A = arith.constant 0 : i32
      %dma_wait3A_86 = tpu.memref_slice %arg4[%add3A_82, %dma_wait3A] : memref<6144x1024xf32, #tpu.memory_space<hbm>> -> memref<48x1024xf32, #tpu.memory_space<hbm>>
      %dma_wait3A_87 = arith.constant 0 : i32
      %dma_wait3A_88 = tpu.memref_slice %arg4[%add3A_82, %dma_wait3A_87] : memref<6144x1024xf32, #tpu.memory_space<hbm>> -> memref<48x1024xf32, #tpu.memory_space<hbm>>
      tpu.wait_dma2 semaphore(%run_scoped3A : memref<!tpu.dma_semaphore, #tpu.memory_space<semaphore_mem>>) src(%arg6 : memref<48x1024xf32, #tpu.memory_space<vmem>>) dst(%dma_wait3A_88 : memref<48x1024xf32, #tpu.memory_space<hbm>>)
      tpu.yield
    }) : () -> ()
    return
  }
}

module attributes {stable_mosaic.version = 14 : i64} {
  func.func @_norm_body(%arg0: memref<1024x768xf32, #tpu.memory_space<vmem>>, %arg1: memref<1024x768xbf16, #tpu.memory_space<vmem>>) attributes {dimension_semantics = [], scalar_prefetch = 0 : i64, scratch_operands = 0 : i64, tpu.core_type = #tpu.core_type<tc>} {
    %get3A = arith.constant 0 : index
    %get3A_0 = arith.constant 0 : index
    %get3A_1 = vector.load %arg0[%get3A, %get3A_0] : memref<1024x768xf32, #tpu.memory_space<vmem>>, vector<1024x768xf32>
    %mul3A = arith.mulf %get3A_1, %get3A_1 : vector<1024x768xf32>
    %reduce_sum3A = arith.constant dense<0.000000e+00> : vector<1024xf32>
    %reduce_sum3A_2 = vector.multi_reduction <add>, %mul3A, %reduce_sum3A [1] : vector<1024x768xf32> to vector<1024xf32>
    %broadcast_in_dim3A = vector.shape_cast %reduce_sum3A_2 : vector<1024xf32> to vector<1024x1xf32>
    %sqrt3A = math.sqrt %broadcast_in_dim3A : vector<1024x1xf32>
    %max3A = arith.constant 9.99999996E-13 : f32
    %max3A_3 = vector.broadcast %max3A : f32 to vector<1024x1xf32>
    %max3A_4 = arith.maximumf %sqrt3A, %max3A_3 : vector<1024x1xf32>
    %div3A = vector.broadcast %max3A_4 : vector<1024x1xf32> to vector<1024x768xf32>
    %div3A_5 = arith.divf %get3A_1, %div3A : vector<1024x768xf32>
    %convert_element_type3A = arith.truncf %div3A_5 : vector<1024x768xf32> to vector<1024x768xbf16>
    %swap3A = arith.constant 0 : index
    %swap3A_6 = arith.constant 0 : index
    %swap3A_7 = vector.load %arg1[%swap3A, %swap3A_6] : memref<1024x768xbf16, #tpu.memory_space<vmem>>, vector<1024x768xbf16>
    tpu.vector_store %arg1[%swap3A, %swap3A_6], %convert_element_type3A {strides = array<i32>} : memref<1024x768xbf16, #tpu.memory_space<vmem>>, vector<1024x768xbf16>,
    return
  }
}

module attributes {stable_mosaic.version = 14 : i64} {
  func.func @_assign_body(%arg0: i32, %arg1: memref<1x768x1024xf32, #tpu.memory_space<vmem>>, %arg2: memref<1024x768xbf16, #tpu.memory_space<vmem>>, %arg3: memref<1x1x1024xi32, #tpu.memory_space<vmem>>, %arg4: memref<1x1x1024xf32, #tpu.memory_space<vmem>>) attributes {dimension_semantics = [#tpu.dimension_semantics<arbitrary>], iteration_bounds = array<i64: 8>, scalar_prefetch = 0 : i64, scratch_operands = 0 : i64, tpu.core_type = #tpu.core_type<tc>, window_params = [{transform_indices = @transform_0, window_bounds = array<i64: 1, 768, 1024>}, {pipeline_mode = #tpu.pipeline_mode<synchronous>, transform_indices = @transform_1, window_bounds = array<i64: 1024, 768>}, {transform_indices = @transform_2, window_bounds = array<i64: 1, 1, 1024>}, {transform_indices = @transform_3, window_bounds = array<i64: 1, 1, 1024>}]} {
    %get3A = arith.constant 0 : index
    %get3A_0 = arith.constant 0 : index
    %get3A_1 = arith.constant 0 : index
    %get3A_2 = vector.load %arg1[%get3A, %get3A_0, %get3A_1] : memref<1x768x1024xf32, #tpu.memory_space<vmem>>, vector<1x768x1024xf32>
    %get3A_3 = vector.shape_cast %get3A_2 : vector<1x768x1024xf32> to vector<768x1024xf32>
    %mul3A = arith.mulf %get3A_3, %get3A_3 : vector<768x1024xf32>
    %reduce_sum3A = arith.constant dense<0.000000e+00> : vector<1024xf32>
    %reduce_sum3A_4 = vector.multi_reduction <add>, %mul3A, %reduce_sum3A [0] : vector<768x1024xf32> to vector<1024xf32>
    %broadcast_in_dim3A = vector.shape_cast %reduce_sum3A_4 : vector<1024xf32> to vector<1x1024xf32>
    %sqrt3A = math.sqrt %broadcast_in_dim3A : vector<1x1024xf32>
    %max3A = arith.constant 9.99999996E-13 : f32
    %max3A_5 = vector.broadcast %max3A : f32 to vector<1x1024xf32>
    %max3A_6 = arith.maximumf %sqrt3A, %max3A_5 : vector<1x1024xf32>
    %div3A = vector.broadcast %max3A_6 : vector<1x1024xf32> to vector<768x1024xf32>
    %div3A_7 = arith.divf %get3A_3, %div3A : vector<768x1024xf32>
    %convert_element_type3A = arith.truncf %div3A_7 : vector<768x1024xf32> to vector<768x1024xbf16>
    %get3A_8 = arith.constant 0 : index
    %get3A_9 = arith.constant 0 : index
    %get3A_10 = vector.load %arg2[%get3A_8, %get3A_9] : memref<1024x768xbf16, #tpu.memory_space<vmem>>, vector<1024x768xbf16>
    %dot_general3A = arith.constant dense<0.000000e+00> : vector<1024x1024xf32>
    %dot_general3A_11 = tpu.matmul %get3A_10, %convert_element_type3A, %dot_general3A {dimension_numbers = #tpu.dot_dimension_numbers<[1], [0], [0], [1], [0, 0, 1, 1], [], []>, transpose_lhs_hint = false} : vector<1024x768xbf16>, vector<768x1024xbf16>, vector<1024x1024xf32> -> vector<1024x1024xf32>
    %reduce_max3A = arith.constant dense<0xFF800000> : vector<1024xf32>
    %reduce_max3A_12 = vector.multi_reduction <maximumf>, %dot_general3A_11, %reduce_max3A [0] : vector<1024x1024xf32> to vector<1024xf32>
    %broadcast_in_dim3A_13 = vector.shape_cast %reduce_max3A_12 : vector<1024xf32> to vector<1x1024xf32>
    %iota3A = tpu.iota {dimensions = array<i32: 0>} : vector<1024x1024xi32>
    %ge3A = vector.broadcast %broadcast_in_dim3A_13 : vector<1x1024xf32> to vector<1024x1024xf32>
    %ge3A_14 = arith.cmpf oge, %dot_general3A_11, %ge3A : vector<1024x1024xf32>
    %jit3A = arith.constant 1024 : i32
    %broadcast_in_dim3A_15 = vector.broadcast %jit3A : i32 to vector<1024x1024xi32>
    %select_n3A = arith.select %ge3A_14, %iota3A, %broadcast_in_dim3A_15 : vector<1024x1024xi1>, vector<1024x1024xi32>
    %reduce_min3A = arith.constant dense<2147483647> : vector<1024xi32>
    %reduce_min3A_16 = vector.multi_reduction <minsi>, %select_n3A, %reduce_min3A [0] : vector<1024x1024xi32> to vector<1024xi32>
    %swap3A = arith.constant 0 : index
    %swap3A_17 = arith.constant 0 : index
    %swap3A_18 = arith.constant 0 : index
    %swap3A_19 = vector.load %arg3[%swap3A, %swap3A_17, %swap3A_18] : memref<1x1x1024xi32, #tpu.memory_space<vmem>>, vector<1x1x1024xi32>
    %swap3A_20 = vector.shape_cast %swap3A_19 : vector<1x1x1024xi32> to vector<1024xi32>
    %swap3A_21 = vector.shape_cast %reduce_min3A_16 : vector<1024xi32> to vector<1x1x1024xi32>
    tpu.vector_store %arg3[%swap3A, %swap3A_17, %swap3A_18], %swap3A_21 {strides = array<i32>} : memref<1x1x1024xi32, #tpu.memory_space<vmem>>, vector<1x1x1024xi32>,
    %broadcast_in_dim3A_22 = vector.shape_cast %reduce_min3A_16 : vector<1024xi32> to vector<1x1024xi32>
    %eq3A = vector.broadcast %broadcast_in_dim3A_22 : vector<1x1024xi32> to vector<1024x1024xi32>
    %eq3A_23 = arith.cmpi eq, %iota3A, %eq3A : vector<1024x1024xi32>
    %convert_element_type3A_24 = arith.extui %eq3A_23 : vector<1024x1024xi1> to vector<1024x1024xi32>
    %convert_element_type3A_25 = arith.sitofp %convert_element_type3A_24 : vector<1024x1024xi32> to vector<1024x1024xf32>
    %reduce_sum3A_26 = arith.constant dense<0.000000e+00> : vector<1024xf32>
    %reduce_sum3A_27 = vector.multi_reduction <add>, %convert_element_type3A_25, %reduce_sum3A_26 [1] : vector<1024x1024xf32> to vector<1024xf32>
    %swap3A_28 = arith.constant 0 : index
    %swap3A_29 = arith.constant 0 : index
    %swap3A_30 = arith.constant 0 : index
    %swap3A_31 = vector.load %arg4[%swap3A_28, %swap3A_29, %swap3A_30] : memref<1x1x1024xf32, #tpu.memory_space<vmem>>, vector<1x1x1024xf32>
    %swap3A_32 = vector.shape_cast %swap3A_31 : vector<1x1x1024xf32> to vector<1024xf32>
    %swap3A_33 = vector.shape_cast %reduce_sum3A_27 : vector<1024xf32> to vector<1x1x1024xf32>
    tpu.vector_store %arg4[%swap3A_28, %swap3A_29, %swap3A_30], %swap3A_33 {strides = array<i32>} : memref<1x1x1024xf32, #tpu.memory_space<vmem>>, vector<1x1x1024xf32>,
    return
  }
  func.func @transform_0(%arg0: i32) -> (i32, i32, i32) {
    %c0_i32 = arith.constant 0 : i32
    %c0_i32_0 = arith.constant 0 : i32
    %c0_i32_1 = arith.constant 0 : i32
    return %arg0, %c0_i32, %c0_i32_0 : i32, i32, i32
  }
  func.func @transform_1(%arg0: i32) -> (i32, i32) {
    %c0_i32 = arith.constant 0 : i32
    %c0_i32_0 = arith.constant 0 : i32
    %c0_i32_1 = arith.constant 0 : i32
    return %c0_i32, %c0_i32_0 : i32, i32
  }
  func.func @transform_2(%arg0: i32) -> (i32, i32, i32) {
    %c0_i32 = arith.constant 0 : i32
    %c0_i32_0 = arith.constant 0 : i32
    %c0_i32_1 = arith.constant 0 : i32
    return %arg0, %c0_i32, %c0_i32_0 : i32, i32, i32
  }
  func.func @transform_3(%arg0: i32) -> (i32, i32, i32) {
    %c0_i32 = arith.constant 0 : i32
    %c0_i32_0 = arith.constant 0 : i32
    %c0_i32_1 = arith.constant 0 : i32
    return %arg0, %c0_i32, %c0_i32_0 : i32, i32, i32
  }
}

module attributes {stable_mosaic.version = 14 : i64} {
  func.func @_finish_body(%arg0: i32, %arg1: memref<1x768x1024xf32, #tpu.memory_space<vmem>>, %arg2: memref<1x768x1024xf32, #tpu.memory_space<vmem>>, %arg3: memref<1x1x1024xf32, #tpu.memory_space<vmem>>, %arg4: memref<1x1x1024xi32, #tpu.memory_space<vmem>>, %arg5: memref<768x768xf32, #tpu.memory_space<vmem>>, %arg6: memref<768x1xf32, #tpu.memory_space<vmem>>, %arg7: memref<1x768x1024xf32, #tpu.memory_space<vmem>>) attributes {dimension_semantics = [#tpu.dimension_semantics<arbitrary>], iteration_bounds = array<i64: 8>, scalar_prefetch = 0 : i64, scratch_operands = 0 : i64, tpu.core_type = #tpu.core_type<tc>, window_params = [{transform_indices = @transform_0, window_bounds = array<i64: 1, 768, 1024>}, {transform_indices = @transform_1, window_bounds = array<i64: 1, 768, 1024>}, {transform_indices = @transform_2, window_bounds = array<i64: 1, 1, 1024>}, {transform_indices = @transform_3, window_bounds = array<i64: 1, 1, 1024>}, {pipeline_mode = #tpu.pipeline_mode<synchronous>, transform_indices = @transform_4, window_bounds = array<i64: 768, 768>}, {pipeline_mode = #tpu.pipeline_mode<synchronous>, transform_indices = @transform_5, window_bounds = array<i64: 768, 1>}, {transform_indices = @transform_6, window_bounds = array<i64: 1, 768, 1024>}]} {
    %get3A = arith.constant 0 : index
    %get3A_0 = arith.constant 0 : index
    %get3A_1 = arith.constant 0 : index
    %get3A_2 = vector.load %arg1[%get3A, %get3A_0, %get3A_1] : memref<1x768x1024xf32, #tpu.memory_space<vmem>>, vector<1x768x1024xf32>
    %get3A_3 = vector.shape_cast %get3A_2 : vector<1x768x1024xf32> to vector<768x1024xf32>
    %get3A_4 = arith.constant 0 : index
    %get3A_5 = arith.constant 0 : index
    %get3A_6 = arith.constant 0 : index
    %get3A_7 = vector.load %arg2[%get3A_4, %get3A_5, %get3A_6] : memref<1x768x1024xf32, #tpu.memory_space<vmem>>, vector<1x768x1024xf32>
    %get3A_8 = vector.shape_cast %get3A_7 : vector<1x768x1024xf32> to vector<768x1024xf32>
    %get3A_9 = arith.constant 0 : index
    %get3A_10 = arith.constant 0 : index
    %get3A_11 = arith.constant 0 : index
    %get3A_12 = vector.load %arg3[%get3A_9, %get3A_10, %get3A_11] : memref<1x1x1024xf32, #tpu.memory_space<vmem>>, vector<1x1x1024xf32>
    %get3A_13 = vector.shape_cast %get3A_12 : vector<1x1x1024xf32> to vector<1x1024xf32>
    %get3A_14 = arith.constant 0 : index
    %get3A_15 = arith.constant 0 : index
    %get3A_16 = arith.constant 0 : index
    %get3A_17 = vector.load %arg4[%get3A_14, %get3A_15, %get3A_16] : memref<1x1x1024xi32, #tpu.memory_space<vmem>>, vector<1x1x1024xi32>
    %get3A_18 = vector.shape_cast %get3A_17 : vector<1x1x1024xi32> to vector<1x1024xi32>
    %max3A = arith.constant 1.000000e+00 : f32
    %max3A_19 = vector.broadcast %max3A : f32 to vector<1x1024xf32>
    %max3A_20 = arith.maximumf %get3A_13, %max3A_19 : vector<1x1024xf32>
    %div3A = vector.broadcast %max3A_20 : vector<1x1024xf32> to vector<768x1024xf32>
    %div3A_21 = arith.divf %get3A_8, %div3A : vector<768x1024xf32>
    %convert_element_type3A = arith.truncf %div3A_21 : vector<768x1024xf32> to vector<768x1024xbf16>
    %iota3A = tpu.iota {dimensions = array<i32: 0>} : vector<1024x1024xi32>
    %eq3A = vector.broadcast %get3A_18 : vector<1x1024xi32> to vector<1024x1024xi32>
    %eq3A_22 = arith.cmpi eq, %iota3A, %eq3A : vector<1024x1024xi32>
    %convert_element_type3A_23 = arith.extui %eq3A_22 : vector<1024x1024xi1> to vector<1024x1024xi32>
    %convert_element_type3A_24 = arith.sitofp %convert_element_type3A_23 : vector<1024x1024xi32> to vector<1024x1024xf32>
    %convert_element_type3A_25 = arith.truncf %convert_element_type3A_24 : vector<1024x1024xf32> to vector<1024x1024xbf16>
    %dot_general3A = arith.constant dense<0.000000e+00> : vector<768x1024xf32>
    %dot_general3A_26 = tpu.matmul %convert_element_type3A, %convert_element_type3A_25, %dot_general3A {dimension_numbers = #tpu.dot_dimension_numbers<[1], [0], [0], [1], [0, 0, 1, 1], [], []>, transpose_lhs_hint = false} : vector<768x1024xbf16>, vector<1024x1024xbf16>, vector<768x1024xf32> -> vector<768x1024xf32>
    %sub3A = arith.subf %dot_general3A_26, %get3A_3 : vector<768x1024xf32>
    %mul3A = arith.mulf %sub3A, %sub3A : vector<768x1024xf32>
    %reduce_sum3A = arith.constant dense<0.000000e+00> : vector<1024xf32>
    %reduce_sum3A_27 = vector.multi_reduction <add>, %mul3A, %reduce_sum3A [0] : vector<768x1024xf32> to vector<1024xf32>
    %broadcast_in_dim3A = vector.shape_cast %reduce_sum3A_27 : vector<1024xf32> to vector<1x1024xf32>
    %div3A_28 = arith.constant 7.680000e+02 : f32
    %div3A_29 = vector.broadcast %div3A_28 : f32 to vector<1x1024xf32>
    %div3A_30 = arith.divf %broadcast_in_dim3A, %div3A_29 : vector<1x1024xf32>
    %neg3A = arith.constant 0.000000e+00 : f32
    %neg3A_31 = vector.broadcast %neg3A : f32 to vector<1x1024xf32>
    %neg3A_32 = arith.subf %neg3A_31, %div3A_30 : vector<1x1024xf32>
    %exp3A = math.exp %neg3A_32 : vector<1x1024xf32>
    %mul3A_33 = vector.broadcast %exp3A : vector<1x1024xf32> to vector<768x1024xf32>
    %mul3A_34 = arith.mulf %mul3A_33, %sub3A : vector<768x1024xf32>
    %add3A = arith.addf %get3A_3, %mul3A_34 : vector<768x1024xf32>
    %get3A_35 = arith.constant 0 : index
    %get3A_36 = arith.constant 0 : index
    %get3A_37 = vector.load %arg5[%get3A_35, %get3A_36] : memref<768x768xf32, #tpu.memory_space<vmem>>, vector<768x768xf32>
    %dot_general3A_38 = arith.constant dense<0.000000e+00> : vector<768x1024xf32>
    %dot_general3A_39 = tpu.matmul %get3A_37, %add3A, %dot_general3A_38 {dimension_numbers = #tpu.dot_dimension_numbers<[1], [0], [0], [1], [0, 0, 1, 1], [], []>, transpose_lhs_hint = false} : vector<768x768xf32>, vector<768x1024xf32>, vector<768x1024xf32> -> vector<768x1024xf32>
    %get3A_40 = arith.constant 0 : index
    %get3A_41 = arith.constant 0 : index
    %get3A_42 = vector.load %arg6[%get3A_40, %get3A_41] : memref<768x1xf32, #tpu.memory_space<vmem>>, vector<768x1xf32>
    %add3A_43 = vector.broadcast %get3A_42 : vector<768x1xf32> to vector<768x1024xf32>
    %add3A_44 = arith.addf %dot_general3A_39, %add3A_43 : vector<768x1024xf32>
    %max3A_45 = arith.constant 0.000000e+00 : f32
    %max3A_46 = vector.broadcast %max3A_45 : f32 to vector<768x1024xf32>
    %max3A_47 = arith.maximumf %add3A_44, %max3A_46 : vector<768x1024xf32>
    %swap3A = arith.constant 0 : index
    %swap3A_48 = arith.constant 0 : index
    %swap3A_49 = arith.constant 0 : index
    %swap3A_50 = vector.load %arg7[%swap3A, %swap3A_48, %swap3A_49] : memref<1x768x1024xf32, #tpu.memory_space<vmem>>, vector<1x768x1024xf32>
    %swap3A_51 = vector.shape_cast %swap3A_50 : vector<1x768x1024xf32> to vector<768x1024xf32>
    %swap3A_52 = vector.shape_cast %max3A_47 : vector<768x1024xf32> to vector<1x768x1024xf32>
    tpu.vector_store %arg7[%swap3A, %swap3A_48, %swap3A_49], %swap3A_52 {strides = array<i32>} : memref<1x768x1024xf32, #tpu.memory_space<vmem>>, vector<1x768x1024xf32>,
    return
  }
  func.func @transform_0(%arg0: i32) -> (i32, i32, i32) {
    %c0_i32 = arith.constant 0 : i32
    %c0_i32_0 = arith.constant 0 : i32
    %c0_i32_1 = arith.constant 0 : i32
    return %arg0, %c0_i32, %c0_i32_0 : i32, i32, i32
  }
  func.func @transform_1(%arg0: i32) -> (i32, i32, i32) {
    %c0_i32 = arith.constant 0 : i32
    %c0_i32_0 = arith.constant 0 : i32
    %c0_i32_1 = arith.constant 0 : i32
    return %arg0, %c0_i32, %c0_i32_0 : i32, i32, i32
  }
  func.func @transform_2(%arg0: i32) -> (i32, i32, i32) {
    %c0_i32 = arith.constant 0 : i32
    %c0_i32_0 = arith.constant 0 : i32
    %c0_i32_1 = arith.constant 0 : i32
    return %arg0, %c0_i32, %c0_i32_0 : i32, i32, i32
  }
  func.func @transform_3(%arg0: i32) -> (i32, i32, i32) {
    %c0_i32 = arith.constant 0 : i32
    %c0_i32_0 = arith.constant 0 : i32
    %c0_i32_1 = arith.constant 0 : i32
    return %arg0, %c0_i32, %c0_i32_0 : i32, i32, i32
  }
  func.func @transform_4(%arg0: i32) -> (i32, i32) {
    %c0_i32 = arith.constant 0 : i32
    %c0_i32_0 = arith.constant 0 : i32
    %c0_i32_1 = arith.constant 0 : i32
    return %c0_i32, %c0_i32_0 : i32, i32
  }
  func.func @transform_5(%arg0: i32) -> (i32, i32) {
    %c0_i32 = arith.constant 0 : i32
    %c0_i32_0 = arith.constant 0 : i32
    %c0_i32_1 = arith.constant 0 : i32
    return %c0_i32, %c0_i32_0 : i32, i32
  }
  func.func @transform_6(%arg0: i32) -> (i32, i32, i32) {
    %c0_i32 = arith.constant 0 : i32
    %c0_i32_0 = arith.constant 0 : i32
    %c0_i32_1 = arith.constant 0 : i32
    return %arg0, %c0_i32, %c0_i32_0 : i32, i32, i32
  }
}

</mosaic_0001>

<sc_bundles>
// kernel: kernel.6.cloned.1.call-start
scs
__scs_entry_jumppad:
0x0: {  	(pc) =	sbr.rel $0x88, $3  }
0x1: {  	(tag) =	ssettag $0x0;
	lr =	simm.s32 $0x1  }
0x2: {  	[smem:$0x3F9D] =	sst lr;
	_ =	strace $0xD0000000  }
0x3: {  	_ = 	snop  }
0x4: {  	_ = 	snop  }
0x5: {  	_ = 	snop  }
0x6: {  	_ = 	snop  }
0x7: {  	_ = 	snop  }
__scs_overlays_trampoline_lowered:
0x8: {  	[smem:$0x3FAC] =	sst s0  }
0x9: {  	[smem:$0x3FAD] =	sst s1  }
0xa: {  	[smem:$0x3FAE] =	sst s2  }
0xb: {  	[smem:$0x3FAF] =	sst s3  }
0xc: {  	[smem:$0x3FB0] =	sst s4  }
0xd: {  	[smem:$0x3FB1] =	sst s5  }
0xe: {  	[smem:$0x3FB2] =	sst s6  }
0xf: {  	[smem:$0x3FB3] =	sst s7  }
0x10: {  	[smem:$0x3FB4] =	sst s8  }
0x11: {  	[smem:$0x3FB5] =	sst s9;
	s0 =	simm.s32 @!p0 $0x0  }
0x12: {  	s1 =	sld [smem:$0x3F9B];
	s0 =	simm.s32 @p0 $0x1  }
0x13: {  	[smem:$0x3FB6] =	sst s0;
	s0 =	simm.s32 @!p1 $0x0  }
0x14: {  	s2 =	sld [smem:$0x3F9A];
	s0 =	simm.s32 @p1 $0x1  }
0x15: {  	[smem:$0x3FB7] =	sst s0;
	s0 =	simm.s32 @!p2 $0x0  }
0x16: {  	s3 =	sld [smem:$0x3FDB];
	s0 =	simm.s32 @p2 $0x1  }
0x17: {  	s4 =	simm.s32 $0x1BF5;
	[smem:$0x3FB9] =	sst s0  }
0x18: {  	s0 =	sld [smem:$0x3F9C];
	_ =	swait.ge [sflag:s4], $0x0  }
0x19: {  	s7 =	sld [smem:$0x3F9D]  }
0x1a: {  	s8 =	sadd.s32 $0xFFFFE003, lr  }
0x1b: {  	s9 =	sadd.s32 $0xFFFFFEF7, lr;
	s5 =	simm.s32 $0xFFFFFFFF;
	p2 =	slt.u32 s8, $0xFFFFF086  }
0x1c: {  	p1 =	slt.u32 s9, $0xF7A;
	s5 =	simm.s32 @!p2 $0x0  }
0x1d: {  	s5 =	simm.s32 @p1 $0x1;
	p0 =	seq.s32 s7, s2  }
0x1e: {  	s7 =	smul.u32 @!p0 $0xF7A, s2;
	p2 =	seq.s32 @!p0 s5, $0x0  }
0x1f: {  	s9 =	smul.u32 $0xF7A, s1;
	s8 =	simm.s32 @!p0 $0x1BF5;
	p2 =	por !p2, p0  }
0x20: {  	[sflag:s8] =	ssyncset.s32 @!p0 $0xFFFFF086;
	s6 =	sadd.s32 @!p0 s3, s7;
	s7 =	simm.s32 @!p0 $0x108  }
0x21: {  	s3 =	sadd.s32 s3, s9;
	s6 =	sadd.s32 @!p0 $0x88, s6;
	s7 =	simm.s32 @p2 $0x1082  }
0x22: {  	[simem:s7], [sflag:s8] =	dma.local @!p0 [hbm:s6], $0xF7A  }
0x23: {  	s9 =	sor.u32 $0xD0000000, s2;
	s6 =	simm.s32 $0x108;
	_ =	swait.ge @!p0 [sflag:s8], $0x0  }
0x24: {  	s3 =	sadd.s32 $0x88, s3;
	s6 =	simm.s32 @!p1 $0x1082;
	[sflag:s4] =	ssyncset.s32 $0xFFFFF086  }
0x25: {  	[simem:s6], [sflag:s4] =	dma.local [hbm:s3], $0xF7A  }
0x26: {  	[smem:$0x3F9D] =	sst s1;
	(tag) =	ssettag s2;
	_ =	strace s9  }
0x27: {  	s1 =	sld [smem:$0x3FAD]  }
0x28: {  	s2 =	sld [smem:$0x3FAE]  }
0x29: {  	s4 =	sld [smem:$0x3FB0]  }
0x2a: {  	p0 =	seq.s32 s5, $0x0;
	s5 =	sld [smem:$0x3FB1]  }
0x2b: {  	s6 =	sld [smem:$0x3FB2]  }
0x2c: {  	s7 =	sld [smem:$0x3FB3]  }
0x2d: {  	s3 =	simm.s32 $0x108;
	s8 =	sld [smem:$0x3FB4]  }
0x2e: {  	s3 =	simm.s32 @!p0 $0x1082;
	s9 =	sld [smem:$0x3FB5]  }
0x2f: {  	lr =	sadd.s32 s0, s3;
	s0 =	sld [smem:$0x3FAC]  }
0x30: {  	s3 =	sld [smem:$0x3FAF]  }
0x31: {  	[smem:$0x3FB8] =	sst s10  }
0x32: {  	s10 =	sld [smem:$0x3FB6];
	_ =	sdelay $0x3  }
0x33: {  	p0 =	seq.s32 s10, $0x1;
	s10 =	sld [smem:$0x3FB8];
	_ =	sdelay $0x3  }
0x34: {  	[smem:$0x3FB8] =	sst s10  }
0x35: {  	s10 =	sld [smem:$0x3FB7];
	_ =	sdelay $0x3  }
0x36: {  	p1 =	seq.s32 s10, $0x1;
	s10 =	sld [smem:$0x3FB8];
	_ =	sdelay $0x3  }
0x37: {  	[smem:$0x3FB8] =	sst s10  }
0x38: {  	s10 =	sld [smem:$0x3FB9]  }
0x39: {  	_ = 	snop;
	(pc) =	sbr.ind lr, $3  }
0x3a: {  	_ = 	snop  }
0x3b: {  	_ = 	snop  }
0x3c: {  	p2 =	seq.s32 s10, $0x1;
	s10 =	sld [smem:$0x3FB8]  }
0x3d: {  	_ =	shalt  }
0x3e: {  	_ =	shalt  }
0x3f: {  	_ =	shalt  }
0x40: {  	_ =	shalt  }
0x41: {  	_ =	shalt  }
0x42: {  	_ =	shalt  }
0x43: {  	_ =	shalt  }
0x44: {  	_ =	shalt  }
0x45: {  	_ =	shalt  }
0x46: {  	_ =	shalt  }
0x47: {  	_ =	shalt  }
0x48: {  	_ =	shalt  }
0x49: {  	_ =	shalt  }
0x4a: {  	_ =	shalt  }
0x4b: {  	_ =	shalt  }
0x4c: {  	_ =	shalt  }
0x4d: {  	_ =	shalt  }
0x4e: {  	_ =	shalt  }
0x4f: {  	_ =	shalt  }
0x50: {  	_ =	shalt  }
0x51: {  	_ =	shalt  }
0x52: {  	_ =	shalt  }
0x53: {  	_ =	shalt  }
0x54: {  	_ =	shalt  }
0x55: {  	_ =	shalt  }
0x56: {  	_ =	shalt  }
0x57: {  	_ =	shalt  }
0x58: {  	_ =	shalt  }
0x59: {  	_ =	shalt  }
0x5a: {  	_ =	shalt  }
0x5b: {  	_ =	shalt  }
0x5c: {  	_ =	shalt  }
0x5d: {  	_ =	shalt  }
0x5e: {  	_ =	shalt  }
0x5f: {  	_ =	shalt  }
0x60: {  	_ =	shalt  }
0x61: {  	_ =	shalt  }
0x62: {  	_ =	shalt  }
0x63: {  	_ =	shalt  }
0x64: {  	_ =	shalt  }
0x65: {  	_ =	shalt  }
0x66: {  	_ =	shalt  }
0x67: {  	_ =	shalt  }
0x68: {  	_ =	shalt  }
0x69: {  	_ =	shalt  }
0x6a: {  	_ =	shalt  }
0x6b: {  	_ =	shalt  }
0x6c: {  	_ =	shalt  }
0x6d: {  	_ =	shalt  }
0x6e: {  	_ =	shalt  }
0x6f: {  	_ =	shalt  }
0x70: {  	_ =	shalt  }
0x71: {  	_ =	shalt  }
0x72: {  	_ =	shalt  }
0x73: {  	_ =	shalt  }
0x74: {  	_ =	shalt  }
0x75: {  	_ =	shalt  }
0x76: {  	_ =	shalt  }
0x77: {  	_ =	shalt  }
0x78: {  	_ =	shalt  }
0x79: {  	_ =	shalt  }
0x7a: {  	_ =	shalt  }
0x7b: {  	_ =	shalt  }
0x7c: {  	_ =	shalt  }
0x7d: {  	_ =	shalt  }
0x7e: {  	_ =	shalt  }
0x7f: {  	_ =	shalt  }
0x80: {  	_ =	shalt  }
0x81: {  	_ =	shalt  }
0x82: {  	_ =	shalt  }
0x83: {  	_ =	shalt  }
0x84: {  	_ =	shalt  }
0x85: {  	_ =	shalt  }
0x86: {  	_ =	shalt  }
0x87: {  	_ =	shalt  }
.Lfunc_end0:
.L_simem_size_0:
called_computation_lowered:
.L_overlay_start_0:
0x88: {  	s2 =	sld [smem:$0x3FD9]  }
0x89: {  	s3 =	sld [smem:$0x3FFE];
	_ =	sdelay $0x1  }
0x8a: {  	s1 =	srdreg.scid  }
0x8b: {  	s0 =	sand.u32 $0x1, s1  }
0x8c: {  	s16 =	sshll.u32 s0, $0xA;
	s2 =	sadd.s32 s3, s2  }
0x8d: {  	s2 =	sadd.s32 s2, s16  }
0x8e: {  	[smem:$0x3FC4] =	sst s2  }
0x8f: {  	_ = 	snop  }
0x90: {  	(tm) =	ssettm $0x1  }
0x91: {  	s17 =	sld [smem:$0x3FFB];
	_ =	sdelay $0x3  }
0x92: {  	_ =	strace s17  }
0x93: {  	s2 =	sld [smem:$0x3FFC];
	_ =	sdelay $0x3  }
0x94: {  	_ =	strace s2  }
0x95: {  	s2 =	sld [smem:$0x3FFD];
	_ =	sdelay $0x3  }
0x96: {  	_ =	strace s2  }
0x97: {  	_ =	strace $0x8FFFFFFF  }
0x98: {  	s18 =	sld [smem:$0x3FDB];
	_ =	sdelay $0x1  }
0x99: {  	s19 =	simm.s32 $_scs_section_size  }
0x9a: {  	s4 =	simm.s32 $_size__tile_overlayer_lowered;
	s5 =	simm.s32 $_tile_overlayer_lowered  }
0x9b: {  	s22 =	simm.s32 $0x1BFF;
	s21 =	sshll.u32 s5, $0x1;
	s2 =	sadd.s32 s19, s18  }
0x9c: {  	s6 =	simm.s32 $0x0;
	s20 =	sshll.u32 s4, $0x1;
	s4 =	sadd.s32 s21, s2  }
0x9d: {  	[timem:s6], [sflag:s22] =	dma.local [hbm:s4], s20  }
0x9e: {  	_ =	swait.ge [sflag:s22], s20  }
0x9f: {  	s3 =	ssub.s32 $0x0, s20;
	[sflag:s22] =	ssyncset.done $0x0  }
0xa0: {  	[sflag:s22] =	ssyncadd.s32 s3;
	_ =	sdelay $0x1  }
0xa1: {  	s23 =	simm.s32 $0x1B8B  }
0xa2: {  	_ =	swait.ge [sflag:s23], $0x1  }
0xa3: {  	[sflag:s23] =	ssyncset.done $0x0  }
0xa4: {  	s25 =	simm.s32 $0x1B8E;
	s24 =	sld [smem:$0x3FFE];
	[sflag:s23] =	ssyncadd.s32 $0xFFFFFFFF  }
0xa5: {  	s26 =	simm.s32 $execute0_lowered;
	[smem:$0x3FD2] =	sst s25  }
0xa6: {  	s4 =	sshll.u32 s26, $0x1;
	_ =	strace $0x80000046;
	[dreg:$0x1] =	wrdreg $0xFFFFFFFF  }
0xa7: {  	s28 =	simm.s32 $_size_execute0_lowered;
	s2 =	sadd.s32 s2, s4;
	[dreg:$0x0] =	wrdreg $0x0  }
0xa8: {  	s4 =	sshll.u32 s28, $0x1;
	[dreg:$0x2] =	wrdreg s2  }
0xa9: {  	[dreg:$0x3] =	wrdreg s4  }
0xaa: {  	[dreg:$0x4] =	wrdreg $0xC0  }
0xab: {  	_ =	task [dreg:s6], $0x5FFFF  }
0xac: {  	[dreg:$0x1] =	wrdreg $0xFFFFFFFF  }
0xad: {  	[dreg:$0x0] =	wrdreg $0x60  }
0xae: {  	[dreg:$0x2] =	wrdreg s24  }
0xaf: {  	[dreg:$0x3] =	wrdreg $0x9  }
0xb0: {  	_ =	task.clear_ibuf [dreg:s6], $0x4FFFF;
	_ =	strace $0x90000046  }
0xb1: {  	s29 =	simm.s32 $0x9;
	_ =	strace $0x80000048  }
0xb2: {  	_ =	swait.ge [sflag:s29], $0x1  }
0xb3: {  	[sflag:s29] =	ssyncadd.s32 $0xFFFFFFFF  }
0xb4: {  	_ =	strace $0x90000048  }
0xb5: {  	_ =	sfence  }
0xb6: {  	s30 =	sld [smem:$0x0];
	_ =	sdelay $0x2  }
0xb7: {  	s31 =	sshll.u32 s1, $0xD;
	s1 =	sshrl.u32 s1, $0x2  }
0xb8: {  	s3 =	sand.u32 $0x4000, s31;
	s1 =	sadd.s32 s1, s30  }
0xb9: {  	s0 =	sor.u32 s3, s0;
	s1 =	sshll.u32 s1, $0x11  }
0xba: {  	s0 =	sor.u32 s1, s0  }
0xbb: {  	s0 =	sadd.s32 $0x8F2B, s0  }
0xbc: {  	[sflag:s0] =	ssyncadd.remote.s32 $0x1  }
0xbd: {  	_ =	sfence.sel $0xFFFF  }
0xbe: {  	[dreg:$0x0] =	wrdreg $0xFFFFFFFF;
	(pc) =	sbr.abs _section_cstart, $3  }
0xbf: {  	[dreg:$0x1] =	wrdreg $0xFFFFFFFF  }
0xc0: {  	_ =	task.clear_ibuf [dreg:s6], $0x2FFFF;
	_ =	strace $0x9FFFFFFF  }
0xc1: {  	(tm) =	ssettm $0x7FFFFFFF  }
tec
execute0_lowered:
.L_overlay_start_1:
0x0: {  	(tag) =	ssettag $0x1  }
0x1: {  	s3 =	rddreg [dreg:$0x0]  }
0x2: {  	s0 =	rddreg [dreg:$0x1];
	s2 =	simm.s32 $0x0;
	s4 =	srdreg.scid  }
0x3: {  	s1 =	stileid.u32;
	s19 =	simm.s32 $0x0;
	[smem:$0x7FF] =	sst s2  }
0x4: {  	s13 =	sadd.s32 $0xC1200, s3;
	s6 =	sand.u32 $0x1, s4;
	s10 =	smul.u32 $0x30, s1  }
0x5: {  	s12 =	sadd.s32 $0x1200, s3;
	s14 =	sadd.s32 $0x181200, s3;
	_ =	strace $0x80000047  }
0x6: {  	s4 =	ssub.s32 $0x2, s6;
	s5 =	smul.u32 $0xC00, s6;
	s7 =	sshll.u32 s6, $0x2  }
0x7: {  	s28 =	sshll.u32 s6, $0x9;
	s17 =	sshllo.u32 s6, $0x2;
	s25 =	sshrl.u32 s4, $0x1  }
0x8: {  	v0 =	vlaneseq.u32;
	s8 =	sor.u32 $0x1, s7;
	s3 =	sadd.s32 s12, s28;
	s11 =	sor.u32 $0x2, s7  }
0x9: {  	v0 =	vmul.u32 $0x400, v0;
	s18 =	smul.u32 $0x300, s17;
	s17 =	sshll.u32 s17, $0x7;
	s15 =	ssub.s32 s4, s25  }
0xa: {  	s26 =	sor.u32 s10, s5;
	s9 =	smul.u32 $0x300, s8;
	s8 =	sshll.u32 s8, $0x7  }
0xb: {  	v1 =	vimm.f32 $0.0e+00;
	v2 =	vor.u32 $0x4000, v0;
	v3 =	vor.u32 $0x8000, v0;
	s16 =	smul.u32 $0x300, s11;
	s29 =	sshll.u32 s11, $0x7;
	s5 =	sshll.u32 s26, $0x7  }
0xc: {  	v4 =	vor.u32 $0x1, v0;
	v5 =	vor.u32 $0x4001, v0;
	v6 =	vor.u32 $0x8001, v0;
	s6 =	sadd.s32 s12, s8;
	s31 =	sadd.s32 s10, s18;
	s15 =	smax.u32 s15, $0x1  }
0xd: {  	v7 =	vor.u32 $0x2, v0;
	v8 =	vor.u32 $0x4002, v0;
	v9 =	vor.u32 $0x8002, v0;
	s18 =	simm.s32 $0xC000;
	s4 =	sadd.s32 s13, s5;
	s9 =	sadd.s32 s10, s9  }
0xe: {  	v10 =	vor.u32 $0x3, v0;
	v11 =	vor.u32 $0x4003, v0;
	v12 =	vor.u32 $0x8003, v0;
	s5 =	sadd.s32 s14, s5;
	s30 =	sadd.s32 s10, s16;
	s9 =	sshll.u32 s9, $0x7  }
0xf: {  	v13 =	vor.u32 $0x4, v0;
	v14 =	vor.u32 $0x4004, v0;
	v15 =	vor.u32 $0x8004, v0;
	s16 =	sshll.u32 s31, $0x7;
	s11 =	sshll.u32 s30, $0x7;
	s7 =	sadd.s32 s13, s9  }
0x10: {  	v16 =	vor.u32 $0x5, v0;
	v17 =	vor.u32 $0x4005, v0;
	v18 =	vor.u32 $0x8005, v0;
	s8 =	sadd.s32 s14, s9;
	s9 =	sadd.s32 s12, s29;
	s10 =	sadd.s32 s13, s11  }
0x11: {  	v19 =	vor.u32 $0x6, v0;
	v20 =	vor.u32 $0x4006, v0;
	v21 =	vor.u32 $0x8006, v0;
	s11 =	sadd.s32 s14, s11;
	s12 =	sadd.s32 s12, s17;
	s13 =	sadd.s32 s13, s16  }
0x12: {  	v22 =	vor.u32 $0x7, v0;
	v23 =	vor.u32 $0x4007, v0;
	v24 =	vor.u32 $0x8007, v0;
	s14 =	sadd.s32 s14, s16;
	s16 =	simm.s32 $0x18000;
	s17 =	simm.s32 $0x1  }
.LBB2_1:
0x13: {  	s20 =	simm.s32 $0x0  }
0x14: {  	v25 =	vmov s20  }
0x15: {  	v25 =	vshrl.u32 v25, $0x3  }
0x16: {  	[tilespmem:s16], [sflag:$0x1] =	stream.linear.gather [hbm4b:s3+s2], $0x400, $0x38;
	v25 =	vshll.u32 v25, $0x3;
	[tilespmem:$0x18400] =	vst v63  }
0x17: {  	_ =	swait.ge [sflag:s17], $0x400;
	v25 =	vbroadcast v25, $0x0  }
0x18: {  	[sflag:s17] =	ssyncset.done $0x0  }
0x19: {  	[sflag:s17] =	ssyncadd.s32 $0xFFFFFC00;
	v26 =	vor.u32 v19, v25  }
0x1a: {  	[tilespmem:s2], [sflag:$0x1] =	stream.linear.gather [hbm4b:s4+s2], $0xC000, $0x38;
	v27 =	vor.u32 v13, v25;
	[tilespmem:$0x18400] =	vst v63  }
0x1b: {  	_ =	swait.ge [sflag:s17], $0xC000;
	v28 =	vor.u32 v4, v25  }
0x1c: {  	[sflag:s17] =	ssyncset.done $0x0;
	v29 =	vor.u32 v0, v25  }
0x1d: {  	v30 =	vor.u32 v7, v25;
	[sflag:s17] =	ssyncadd.s32 $0xFFFF4000  }
0x1e: {  	v31 =	vor.u32 v16, v25;
	[tilespmem:v26+s18+$0x0] =	vst.idx.msk $0xffff, v1  }
0x1f: {  	v32 =	vor.u32 v5, v25;
	[tilespmem:v27+s18+$0x0] =	vst.idx.msk $0xffff, v1  }
0x20: {  	v26 =	vor.u32 v14, v25;
	[tilespmem:v28+s18+$0x0] =	vst.idx.msk $0xffff, v1  }
0x21: {  	v28 =	vor.u32 v22, v25;
	[tilespmem:v29+s18+$0x0] =	vst.idx.msk $0xffff, v1  }
0x22: {  	v29 =	vor.u32 v2, v25;
	[tilespmem:v30+s18+$0x0] =	vst.idx.msk $0xffff, v1  }
0x23: {  	v27 =	vor.u32 v15, v25;
	[tilespmem:v31+s18+$0x0] =	vst.idx.msk $0xffff, v1  }
0x24: {  	v30 =	vor.u32 v3, v25;
	[tilespmem:v32+s18+$0x0] =	vst.idx.msk $0xffff, v1  }
0x25: {  	v33 =	vor.u32 v23, v25;
	[tilespmem:v26+s18+$0x0] =	vst.idx.msk $0xffff, v1  }
0x26: {  	v31 =	vor.u32 v24, v25;
	[tilespmem:v28+s18+$0x0] =	vst.idx.msk $0xffff, v1  }
0x27: {  	v32 =	vor.u32 v6, v25;
	[tilespmem:v29+s18+$0x0] =	vst.idx.msk $0xffff, v1  }
0x28: {  	v29 =	vor.u32 v20, v25;
	[tilespmem:v27+s18+$0x0] =	vst.idx.msk $0xffff, v1  }
0x29: {  	v26 =	vor.u32 v8, v25;
	v27 =	vor.u32 v10, v25;
	[tilespmem:v30+s18+$0x0] =	vst.idx.msk $0xffff, v1  }
0x2a: {  	v28 =	vor.u32 v21, v25;
	v30 =	vor.u32 v17, v25;
	[tilespmem:v33+s18+$0x0] =	vst.idx.msk $0xffff, v1  }
.LBB2_2:
0x2b: {  	s20 =	sadd.s32 $0x8, s20;
	[tilespmem:v31+s18+$0x0] =	vst.idx.msk $0xffff, v1  }
0x2c: {  	v31 =	vmov s20;
	p0 =	slt.u32 s20, $0x3F8;
	[tilespmem:v32+s18+$0x0] =	vst.idx.msk $0xffff, v1  }
0x2d: {  	v32 =	vor.u32 v18, v25;
	v31 =	vshrl.u32 v31, $0x3;
	[tilespmem:v29+s18+$0x0] =	vst.idx.msk $0xffff, v1  }
0x2e: {  	v33 =	vor.u32 v11, v25;
	v29 =	vshll.u32 v31, $0x3;
	v31 =	vor.u32 v9, v25;
	[tilespmem:v27+s18+$0x0] =	vst.idx.msk $0xffff, v1  }
0x2f: {  	v34 =	vor.u32 v12, v25;
	v25 =	vbroadcast v29, $0x0;
	[tilespmem:v28+s18+$0x0] =	vst.idx.msk $0xffff, v1  }
0x30: {  	[tilespmem:v30+s18+$0x0] =	vst.idx.msk $0xffff, v1  }
0x31: {  	v35 =	vor.u32 v0, v25;
	v30 =	vor.u32 v19, v25;
	[tilespmem:v26+s18+$0x0] =	vst.idx.msk $0xffff, v1  }
0x32: {  	v36 =	vor.u32 v4, v25;
	v37 =	vor.u32 v13, v25;
	[tilespmem:v32+s18+$0x0] =	vst.idx.msk $0xffff, v1  }
0x33: {  	v38 =	vor.u32 v16, v25;
	v32 =	vor.u32 v7, v25;
	[tilespmem:v31+s18+$0x0] =	vst.idx.msk $0xffff, v1  }
0x34: {  	v27 =	vor.u32 v10, v25;
	v29 =	vor.u32 v20, v25;
	[tilespmem:v33+s18+$0x0] =	vst.idx.msk $0xffff, v1  }
0x35: {  	v26 =	vor.u32 v8, v25;
	v28 =	vor.u32 v21, v25;
	[tilespmem:v34+s18+$0x0] =	vst.idx.msk $0xffff, v1  }
0x36: {  	v33 =	vor.u32 v2, v25;
	v34 =	vor.u32 v22, v25;
	[tilespmem:v30+s18+$0x0] =	vst.idx.msk $0xffff, v1  }
0x37: {  	v31 =	vor.u32 v24, v25;
	[tilespmem:v37+s18+$0x0] =	vst.idx.msk $0xffff, v1;
	v37 =	vor.u32 v14, v25  }
0x38: {  	v30 =	vor.u32 v17, v25;
	[tilespmem:v36+s18+$0x0] =	vst.idx.msk $0xffff, v1;
	v36 =	vor.u32 v15, v25  }
0x39: {  	[tilespmem:v35+s18+$0x0] =	vst.idx.msk $0xffff, v1  }
0x3a: {  	v35 =	vor.u32 v5, v25;
	[tilespmem:v32+s18+$0x0] =	vst.idx.msk $0xffff, v1  }
0x3b: {  	v39 =	vor.u32 v3, v25;
	[tilespmem:v38+s18+$0x0] =	vst.idx.msk $0xffff, v1;
	v38 =	vor.u32 v23, v25  }
0x3c: {  	[tilespmem:v37+s18+$0x0] =	vst.idx.msk $0xffff, v1  }
0x3d: {  	[tilespmem:v36+s18+$0x0] =	vst.idx.msk $0xffff, v1  }
.Ltmp0:
0x3e: {  	[tilespmem:v34+s18+$0x0] =	vst.idx.msk $0xffff, v1;
	(pc) =	sbr.rel @p0 .LBB2_2-.Ltmp0, $4  }
0x3f: {  	v32 =	vor.u32 v6, v25;
	[tilespmem:v33+s18+$0x0] =	vst.idx.msk $0xffff, v1  }
0x40: {  	[tilespmem:v39+s18+$0x0] =	vst.idx.msk $0xffff, v1  }
0x41: {  	[tilespmem:v35+s18+$0x0] =	vst.idx.msk $0xffff, v1  }
0x42: {  	[tilespmem:v38+s18+$0x0] =	vst.idx.msk $0xffff, v1  }
0x43: {  	_ =	sdelay $0x3  }
0x44: {  	[tilespmem:v31+s18+$0x0] =	vst.idx.msk $0xffff, v1  }
0x45: {  	[tilespmem:v32+s18+$0x0] =	vst.idx.msk $0xffff, v1;
	s20 =	simm.s32 $0x0  }
0x46: {  	v31 =	vor.u32 v18, v25;
	[tilespmem:v29+s18+$0x0] =	vst.idx.msk $0xffff, v1;
	v29 =	vmov s20  }
0x47: {  	v52 =	vor.u32 v9, v25;
	[tilespmem:v27+s18+$0x0] =	vst.idx.msk $0xffff, v1;
	v27 =	vshrl.u32 v29, $0x3  }
0x48: {  	[tilespmem:v30+s18+$0x0] =	vst.idx.msk $0xffff, v1;
	v29 =	vor.u32 v11, v25;
	v27 =	vshll.u32 v27, $0x3  }
0x49: {  	[tilespmem:v26+s18+$0x0] =	vst.idx.msk $0xffff, v1;
	v25 =	vor.u32 v12, v25;
	v37 =	vbroadcast v27, $0x0  }
0x4a: {  	[tilespmem:v28+s18+$0x0] =	vst.idx.msk $0xffff, v1  }
0x4b: {  	[tilespmem:v31+s18+$0x0] =	vst.idx.msk $0xffff, v1;
	v26 =	vor.u32 v4, v37  }
0x4c: {  	[tilespmem:v52+s18+$0x0] =	vst.idx.msk $0xffff, v1;
	v27 =	vor.u32 v22, v37  }
0x4d: {  	v28 =	vor.u32 $0x2, v37;
	[tilespmem:v29+s18+$0x0] =	vst.idx.msk $0xffff, v1  }
0x4e: {  	v30 =	vor.u32 $0x6, v37;
	[tilespmem:v25+s18+$0x0] =	vst.idx.msk $0xffff, v1  }
0x4f: {  	v33 =	vor.u32 v7, v37;
	v32 =	vld.idx.msk [tilespmem:v37+s16+$0x0], $0xffff  }
0x50: {  	v41 =	vor.u32 v10, v37;
	v31 =	vld.idx.msk [tilespmem:v26+s2+$0x0], $0xffff  }
0x51: {  	v43 =	vor.u32 v0, v37;
	v35 =	vld.idx.msk [tilespmem:v27+s2+$0x0], $0xffff  }
0x52: {  	v29 =	vor.u32 $0x5, v37;
	v26 =	vld.idx.msk [tilespmem:v28+s16+$0x0], $0xffff  }
0x53: {  	v25 =	vor.u32 $0x4, v37;
	v36 =	vld.idx.msk [tilespmem:v30+s16+$0x0], $0xffff  }
0x54: {  	v27 =	vor.u32 v13, v37;
	v33 =	vld.idx.msk [tilespmem:v33+s2+$0x0], $0xffff  }
0x55: {  	v28 =	vor.u32 v16, v37;
	v41 =	vld.idx.msk [tilespmem:v41+s2+$0x0], $0xffff  }
0x56: {  	v30 =	vor.u32 v19, v37;
	v43 =	vld.idx.msk [tilespmem:v43+s2+$0x0], $0xffff  }
0x57: {  	v34 =	vor.u32 $0x1, v37;
	v29 =	vld.idx.msk [tilespmem:v29+s16+$0x0], $0xffff  }
0x58: {  	v38 =	vor.u32 $0x3, v37;
	v25 =	vld.idx.msk [tilespmem:v25+s16+$0x0], $0xffff  }
0x59: {  	v39 =	vor.u32 $0x7, v37;
	v40 =	vld.idx.msk [tilespmem:v27+s2+$0x0], $0xffff  }
0x5a: {  	v47 =	vadd.s32 v0, v32;
	v42 =	vld.idx.msk [tilespmem:v28+s2+$0x0], $0xffff  }
0x5b: {  	v44 =	vld.idx.msk [tilespmem:v30+s2+$0x0], $0xffff;
	v45 =	vadd.s32 v0, v36  }
0x5c: {  	v27 =	vld.idx.msk [tilespmem:v34+s16+$0x0], $0xffff;
	v55 =	vadd.s32 v0, v26  }
0x5d: {  	v61 =	vor.u32 v2, v37;
	v28 =	vld.idx.msk [tilespmem:v38+s16+$0x0], $0xffff  }
0x5e: {  	v30 =	vld.idx.msk [tilespmem:v39+s16+$0x0], $0xffff;
	v53 =	vadd.s32 v0, v29  }
0x5f: {  	v46 =	vor.u32 v8, v37;
	[tilespmem:v47+s18+$0x0] =	vst.idx.add.f32.msk $0xffff, v43  }
0x60: {  	v56 =	vor.u32 v20, v37;
	[tilespmem:v45+s18+$0x0] =	vst.idx.add.f32.msk $0xffff, v44  }
0x61: {  	v54 =	vor.u32 v17, v37;
	[tilespmem:v55+s18+$0x0] =	vst.idx.add.f32.msk $0xffff, v33  }
0x62: {  	v57 =	vadd.s32 v0, v25;
	v51 =	vld.idx.msk [tilespmem:v61+s2+$0x0], $0xffff  }
0x63: {  	v58 =	vor.u32 v14, v37;
	[tilespmem:v53+s18+$0x0] =	vst.idx.add.f32.msk $0xffff, v42  }
0x64: {  	v60 =	vadd.s32 v0, v30;
	v39 =	vld.idx.msk [tilespmem:v46+s2+$0x0], $0xffff  }
0x65: {  	v63 =	vadd.s32 v2, v26;
	v62 =	vld.idx.msk [tilespmem:v56+s2+$0x0], $0xffff  }
0x66: {  	v48 =	vadd.s32 v2, v36;
	v38 =	vld.idx.msk [tilespmem:v54+s2+$0x0], $0xffff  }
0x67: {  	v52 =	vor.u32 v23, v37;
	[tilespmem:v57+s18+$0x0] =	vst.idx.add.f32.msk $0xffff, v40  }
0x68: {  	v53 =	vadd.s32 v0, v28;
	v34 =	vld.idx.msk [tilespmem:v58+s2+$0x0], $0xffff  }
0x69: {  	v59 =	vadd.s32 v2, v29;
	[tilespmem:v60+s18+$0x0] =	vst.idx.add.f32.msk $0xffff, v35  }
0x6a: {  	v49 =	vor.u32 v9, v37;
	[tilespmem:v63+s18+$0x0] =	vst.idx.add.f32.msk $0xffff, v39  }
0x6b: {  	v54 =	vadd.s32 v2, v32;
	[tilespmem:v48+s18+$0x0] =	vst.idx.add.f32.msk $0xffff, v62  }
0x6c: {  	v55 =	vor.u32 v11, v37;
	v43 =	vld.idx.msk [tilespmem:v52+s2+$0x0], $0xffff  }
0x6d: {  	v56 =	vor.u32 v21, v37;
	[tilespmem:v53+s18+$0x0] =	vst.idx.add.f32.msk $0xffff, v41  }
0x6e: {  	v57 =	vadd.s32 v0, v27;
	[tilespmem:v59+s18+$0x0] =	vst.idx.add.f32.msk $0xffff, v38  }
0x6f: {  	v50 =	vor.u32 v18, v37;
	v33 =	vld.idx.msk [tilespmem:v49+s2+$0x0], $0xffff  }
0x70: {  	v58 =	vor.u32 v5, v37;
	[tilespmem:v54+s18+$0x0] =	vst.idx.add.f32.msk $0xffff, v51  }
0x71: {  	v62 =	vor.u32 v3, v37;
	v60 =	vld.idx.msk [tilespmem:v55+s2+$0x0], $0xffff  }
0x72: {  	v59 =	vadd.s32 v2, v30;
	v42 =	vld.idx.msk [tilespmem:v56+s2+$0x0], $0xffff  }
0x73: {  	v61 =	vadd.s32 v2, v28;
	[tilespmem:v57+s18+$0x0] =	vst.idx.add.f32.msk $0xffff, v31  }
0x74: {  	v29 =	vadd.s32 v3, v29;
	v38 =	vld.idx.msk [tilespmem:v50+s2+$0x0], $0xffff  }
0x75: {  	v31 =	vadd.s32 v3, v36;
	v35 =	vld.idx.msk [tilespmem:v58+s2+$0x0], $0xffff  }
0x76: {  	v63 =	vor.u32 v24, v37;
	v36 =	vld.idx.msk [tilespmem:v62+s2+$0x0], $0xffff  }
0x77: {  	v39 =	vadd.s32 v2, v27;
	[tilespmem:v59+s18+$0x0] =	vst.idx.add.f32.msk $0xffff, v43  }
0x78: {  	v40 =	vadd.s32 v2, v25;
	[tilespmem:v61+s18+$0x0] =	vst.idx.add.f32.msk $0xffff, v60  }
0x79: {  	[tilespmem:v29+s18+$0x0] =	vst.idx.add.f32.msk $0xffff, v38;
	v38 =	vor.u32 v15, v37  }
0x7a: {  	[tilespmem:v31+s18+$0x0] =	vst.idx.add.f32.msk $0xffff, v42;
	v31 =	vor.u32 v12, v37  }
0x7b: {  	v29 =	vor.u32 v6, v37;
	v37 =	vadd.s32 v3, v32;
	v32 =	vld.idx.msk [tilespmem:v63+s2+$0x0], $0xffff  }
.LBB2_4:
0x7c: {  	s20 =	sadd.s32 $0x8, s20;
	[tilespmem:v39+s18+$0x0] =	vst.idx.add.f32.msk $0xffff, v35  }
0x7d: {  	v30 =	vadd.s32 v3, v30;
	v35 =	vmov s20;
	p0 =	slt.u32 s20, $0x3F8;
	[tilespmem:v40+s18+$0x0] =	vst.idx.add.f32.msk $0xffff, v34  }
0x7e: {  	v26 =	vadd.s32 v3, v26;
	v34 =	vshrl.u32 v35, $0x3;
	v35 =	vld.idx.msk [tilespmem:v38+s2+$0x0], $0xffff  }
0x7f: {  	v25 =	vadd.s32 v3, v25;
	v34 =	vshll.u32 v34, $0x3;
	v38 =	vld.idx.msk [tilespmem:v31+s2+$0x0], $0xffff  }
0x80: {  	v28 =	vadd.s32 v3, v28;
	v31 =	vbroadcast v34, $0x0;
	[tilespmem:v37+s18+$0x0] =	vst.idx.add.f32.msk $0xffff, v36  }
0x81: {  	v27 =	vadd.s32 v3, v27;
	v34 =	vld.idx.msk [tilespmem:v29+s2+$0x0], $0xffff  }
0x82: {  	v36 =	vor.u32 v0, v31;
	v37 =	vor.u32 v22, v31;
	[tilespmem:v30+s18+$0x0] =	vst.idx.add.f32.msk $0xffff, v32  }
0x83: {  	v30 =	vor.u32 v4, v31;
	v29 =	vor.u32 v6, v31;
	v39 =	vor.u32 $0x2, v31;
	[tilespmem:v26+s18+$0x0] =	vst.idx.add.f32.msk $0xffff, v33  }
0x84: {  	v33 =	vor.u32 $0x3, v31;
	[tilespmem:v25+s18+$0x0] =	vst.idx.add.f32.msk $0xffff, v35  }
0x85: {  	v25 =	vor.u32 $0x4, v31;
	[tilespmem:v28+s18+$0x0] =	vst.idx.add.f32.msk $0xffff, v38  }
0x86: {  	v28 =	vor.u32 $0x5, v31;
	v32 =	vld.idx.msk [tilespmem:v31+s16+$0x0], $0xffff  }
0x87: {  	v35 =	vor.u32 $0x6, v31;
	[tilespmem:v27+s18+$0x0] =	vst.idx.add.f32.msk $0xffff, v34  }
0x88: {  	v27 =	vor.u32 v7, v31;
	v38 =	vld.idx.msk [tilespmem:v30+s2+$0x0], $0xffff  }
0x89: {  	v30 =	vor.u32 $0x7, v31;
	v37 =	vld.idx.msk [tilespmem:v37+s2+$0x0], $0xffff  }
0x8a: {  	v34 =	vor.u32 v13, v31;
	v26 =	vld.idx.msk [tilespmem:v39+s16+$0x0], $0xffff  }
0x8b: {  	v39 =	vor.u32 v16, v31;
	v25 =	vld.idx.msk [tilespmem:v25+s16+$0x0], $0xffff  }
0x8c: {  	v41 =	vor.u32 $0x1, v31;
	v40 =	vadd.s32 v0, v32;
	v42 =	vld.idx.msk [tilespmem:v28+s16+$0x0], $0xffff  }
0x8d: {  	v28 =	vor.u32 v19, v31;
	v35 =	vld.idx.msk [tilespmem:v35+s16+$0x0], $0xffff  }
0x8e: {  	v43 =	vld.idx.msk [tilespmem:v27+s2+$0x0], $0xffff  }
0x8f: {  	v34 =	vld.idx.msk [tilespmem:v34+s2+$0x0], $0xffff  }
0x90: {  	v44 =	vor.u32 v10, v31;
	v39 =	vld.idx.msk [tilespmem:v39+s2+$0x0], $0xffff  }
0x91: {  	v27 =	vld.idx.msk [tilespmem:v41+s16+$0x0], $0xffff;
	v41 =	vor.u32 v14, v31  }
0x92: {  	v45 =	vadd.s32 v0, v42;
	v46 =	vld.idx.msk [tilespmem:v28+s2+$0x0], $0xffff  }
0x93: {  	v28 =	vld.idx.msk [tilespmem:v33+s16+$0x0], $0xffff;
	v33 =	vor.u32 v17, v31  }
0x94: {  	v47 =	vadd.s32 v0, v35;
	v30 =	vld.idx.msk [tilespmem:v30+s16+$0x0], $0xffff  }
0x95: {  	v48 =	vadd.s32 v0, v26;
	v44 =	vld.idx.msk [tilespmem:v44+s2+$0x0], $0xffff  }
0x96: {  	v49 =	vor.u32 v8, v31;
	v36 =	vld.idx.msk [tilespmem:v36+s2+$0x0], $0xffff  }
0x97: {  	v50 =	vadd.s32 v0, v27;
	[tilespmem:v45+s18+$0x0] =	vst.idx.add.f32.msk $0xffff, v39  }
0x98: {  	v39 =	vor.u32 v20, v31;
	v33 =	vld.idx.msk [tilespmem:v33+s2+$0x0], $0xffff  }
0x99: {  	v51 =	vadd.s32 v2, v42;
	v45 =	vadd.s32 v0, v25;
	[tilespmem:v47+s18+$0x0] =	vst.idx.add.f32.msk $0xffff, v46  }
0x9a: {  	[tilespmem:v48+s18+$0x0] =	vst.idx.add.f32.msk $0xffff, v43  }
0x9b: {  	v46 =	vadd.s32 v0, v30;
	v43 =	vld.idx.msk [tilespmem:v49+s2+$0x0], $0xffff  }
0x9c: {  	[tilespmem:v40+s18+$0x0] =	vst.idx.add.f32.msk $0xffff, v36  }
0x9d: {  	v36 =	vor.u32 v2, v31;
	v40 =	vadd.s32 v2, v35;
	v39 =	vld.idx.msk [tilespmem:v39+s2+$0x0], $0xffff  }
0x9e: {  	v47 =	vadd.s32 v2, v26;
	[tilespmem:v45+s18+$0x0] =	vst.idx.add.f32.msk $0xffff, v34  }
0x9f: {  	v45 =	vadd.s32 v0, v28;
	v34 =	vld.idx.msk [tilespmem:v41+s2+$0x0], $0xffff  }
0xa0: {  	v41 =	vor.u32 v9, v31;
	[tilespmem:v51+s18+$0x0] =	vst.idx.add.f32.msk $0xffff, v33  }
0xa1: {  	v48 =	vor.u32 v18, v31;
	[tilespmem:v46+s18+$0x0] =	vst.idx.add.f32.msk $0xffff, v37  }
0xa2: {  	v37 =	vor.u32 v23, v31;
	v36 =	vld.idx.msk [tilespmem:v36+s2+$0x0], $0xffff  }
0xa3: {  	[tilespmem:v47+s18+$0x0] =	vst.idx.add.f32.msk $0xffff, v43  }
0xa4: {  	v43 =	vadd.s32 v2, v32;
	[tilespmem:v40+s18+$0x0] =	vst.idx.add.f32.msk $0xffff, v39  }
0xa5: {  	v39 =	vor.u32 v11, v31;
	v33 =	vld.idx.msk [tilespmem:v41+s2+$0x0], $0xffff  }
0xa6: {  	v41 =	vor.u32 v21, v31;
	v40 =	vld.idx.msk [tilespmem:v48+s2+$0x0], $0xffff  }
0xa7: {  	v37 =	vld.idx.msk [tilespmem:v37+s2+$0x0], $0xffff  }
0xa8: {  	v46 =	vor.u32 v5, v31;
	[tilespmem:v45+s18+$0x0] =	vst.idx.add.f32.msk $0xffff, v44;
	v44 =	vadd.s32 v2, v30  }
0xa9: {  	[tilespmem:v43+s18+$0x0] =	vst.idx.add.f32.msk $0xffff, v36  }
0xaa: {  	v42 =	vadd.s32 v3, v42;
	v36 =	vld.idx.msk [tilespmem:v39+s2+$0x0], $0xffff  }
0xab: {  	v43 =	vadd.s32 v2, v28;
	v41 =	vld.idx.msk [tilespmem:v41+s2+$0x0], $0xffff  }
0xac: {  	v45 =	vadd.s32 v3, v35;
	[tilespmem:v50+s18+$0x0] =	vst.idx.add.f32.msk $0xffff, v38  }
0xad: {  	v47 =	vor.u32 v3, v31;
	v35 =	vld.idx.msk [tilespmem:v46+s2+$0x0], $0xffff  }
0xae: {  	[tilespmem:v44+s18+$0x0] =	vst.idx.add.f32.msk $0xffff, v37;
	v44 =	vor.u32 v24, v31  }
.Ltmp1:
0xaf: {  	v39 =	vadd.s32 v2, v27;
	[tilespmem:v42+s18+$0x0] =	vst.idx.add.f32.msk $0xffff, v40;
	(pc) =	sbr.rel @p0 .LBB2_4-.Ltmp1, $4  }
0xb0: {  	v40 =	vadd.s32 v2, v25;
	[tilespmem:v43+s18+$0x0] =	vst.idx.add.f32.msk $0xffff, v36  }
0xb1: {  	v38 =	vor.u32 v15, v31;
	[tilespmem:v45+s18+$0x0] =	vst.idx.add.f32.msk $0xffff, v41  }
0xb2: {  	v31 =	vor.u32 v12, v31;
	v36 =	vld.idx.msk [tilespmem:v47+s2+$0x0], $0xffff  }
0xb3: {  	v37 =	vadd.s32 v3, v32;
	v32 =	vld.idx.msk [tilespmem:v44+s2+$0x0], $0xffff  }
0xb4: {  	_ =	sdelay $0x3  }
0xb5: {  	[tilespmem:v39+s18+$0x0] =	vst.idx.add.f32.msk $0xffff, v35  }
0xb6: {  	[tilespmem:v40+s18+$0x0] =	vst.idx.add.f32.msk $0xffff, v34;
	v30 =	vadd.s32 v3, v30  }
0xb7: {  	v26 =	vadd.s32 v3, v26;
	v31 =	vld.idx.msk [tilespmem:v31+s2+$0x0], $0xffff  }
0xb8: {  	v28 =	vadd.s32 v3, v28;
	v34 =	vld.idx.msk [tilespmem:v38+s2+$0x0], $0xffff  }
0xb9: {  	v25 =	vadd.s32 v3, v25;
	v29 =	vld.idx.msk [tilespmem:v29+s2+$0x0], $0xffff  }
0xba: {  	v27 =	vadd.s32 v3, v27;
	[tilespmem:v37+s18+$0x0] =	vst.idx.add.f32.msk $0xffff, v36  }
0xbb: {  	[tilespmem:v30+s18+$0x0] =	vst.idx.add.f32.msk $0xffff, v32  }
0xbc: {  	[tilespmem:v26+s18+$0x0] =	vst.idx.add.f32.msk $0xffff, v33  }
0xbd: {  	[tilespmem:v28+s18+$0x0] =	vst.idx.add.f32.msk $0xffff, v31  }
0xbe: {  	[tilespmem:v25+s18+$0x0] =	vst.idx.add.f32.msk $0xffff, v34  }
0xbf: {  	[tilespmem:v27+s18+$0x0] =	vst.idx.add.f32.msk $0xffff, v29  }
0xc0: {  	[hbm4b:s5+s2] =	stream.linear.scatter [tilespmem:s18], [sflag:$0x1], $0xC000, $0x38;
	[tilespmem:$0x18400] =	vst v63  }
0xc1: {  	s20 =	simm.s32 $0x0;
	_ =	swait.ge [sflag:s17], $0xC000  }
0xc2: {  	v25 =	vmov s20;
	[sflag:s17] =	ssyncset.done $0x0  }
0xc3: {  	v25 =	vshrl.u32 v25, $0x3;
	[sflag:s17] =	ssyncadd.s32 $0xFFFF4000  }
0xc4: {  	v25 =	vshll.u32 v25, $0x3;
	[tilespmem:s16], [sflag:$0x1] =	stream.linear.gather [hbm4b:s6+s2], $0x400, $0x38;
	[tilespmem:$0x18400] =	vst v63  }
0xc5: {  	v25 =	vbroadcast v25, $0x0;
	_ =	swait.ge [sflag:s17], $0x400  }
0xc6: {  	[sflag:s17] =	ssyncset.done $0x0  }
0xc7: {  	v26 =	vor.u32 v19, v25;
	[sflag:s17] =	ssyncadd.s32 $0xFFFFFC00  }
0xc8: {  	v27 =	vor.u32 v13, v25;
	[tilespmem:s2], [sflag:$0x1] =	stream.linear.gather [hbm4b:s7+s2], $0xC000, $0x38;
	[tilespmem:$0x18400] =	vst v63  }
0xc9: {  	v28 =	vor.u32 v4, v25;
	_ =	swait.ge [sflag:s17], $0xC000  }
0xca: {  	v29 =	vor.u32 v0, v25;
	[sflag:s17] =	ssyncset.done $0x0  }
0xcb: {  	v30 =	vor.u32 v7, v25;
	[sflag:s17] =	ssyncadd.s32 $0xFFFF4000  }
0xcc: {  	v31 =	vor.u32 v16, v25;
	[tilespmem:v26+s18+$0x0] =	vst.idx.msk $0xffff, v1  }
0xcd: {  	v62 =	vor.u32 v5, v25;
	[tilespmem:v27+s18+$0x0] =	vst.idx.msk $0xffff, v1  }
0xce: {  	v26 =	vor.u32 v14, v25;
	[tilespmem:v28+s18+$0x0] =	vst.idx.msk $0xffff, v1  }
0xcf: {  	v28 =	vor.u32 v22, v25;
	[tilespmem:v29+s18+$0x0] =	vst.idx.msk $0xffff, v1  }
0xd0: {  	v29 =	vor.u32 v2, v25;
	[tilespmem:v30+s18+$0x0] =	vst.idx.msk $0xffff, v1  }
0xd1: {  	v27 =	vor.u32 v15, v25;
	[tilespmem:v31+s18+$0x0] =	vst.idx.msk $0xffff, v1  }
0xd2: {  	v30 =	vor.u32 v3, v25;
	[tilespmem:v62+s18+$0x0] =	vst.idx.msk $0xffff, v1  }
0xd3: {  	v63 =	vor.u32 v23, v25;
	[tilespmem:v26+s18+$0x0] =	vst.idx.msk $0xffff, v1  }
0xd4: {  	v31 =	vor.u32 v24, v25;
	[tilespmem:v28+s18+$0x0] =	vst.idx.msk $0xffff, v1  }
0xd5: {  	v32 =	vor.u32 v6, v25;
	[tilespmem:v29+s18+$0x0] =	vst.idx.msk $0xffff, v1  }
0xd6: {  	v29 =	vor.u32 v20, v25;
	[tilespmem:v27+s18+$0x0] =	vst.idx.msk $0xffff, v1  }
0xd7: {  	v26 =	vor.u32 v8, v25;
	v27 =	vor.u32 v10, v25;
	[tilespmem:v30+s18+$0x0] =	vst.idx.msk $0xffff, v1  }
0xd8: {  	v28 =	vor.u32 v21, v25;
	v30 =	vor.u32 v17, v25;
	[tilespmem:v63+s18+$0x0] =	vst.idx.msk $0xffff, v1  }
.LBB2_6:
0xd9: {  	s20 =	sadd.s32 $0x8, s20;
	[tilespmem:v31+s18+$0x0] =	vst.idx.msk $0xffff, v1  }
0xda: {  	v31 =	vmov s20;
	p0 =	slt.u32 s20, $0x3F8;
	[tilespmem:v32+s18+$0x0] =	vst.idx.msk $0xffff, v1  }
0xdb: {  	v32 =	vor.u32 v18, v25;
	v31 =	vshrl.u32 v31, $0x3;
	[tilespmem:v29+s18+$0x0] =	vst.idx.msk $0xffff, v1  }
0xdc: {  	v33 =	vor.u32 v11, v25;
	v29 =	vshll.u32 v31, $0x3;
	v31 =	vor.u32 v9, v25;
	[tilespmem:v27+s18+$0x0] =	vst.idx.msk $0xffff, v1  }
0xdd: {  	v34 =	vor.u32 v12, v25;
	v25 =	vbroadcast v29, $0x0;
	[tilespmem:v28+s18+$0x0] =	vst.idx.msk $0xffff, v1  }
0xde: {  	[tilespmem:v30+s18+$0x0] =	vst.idx.msk $0xffff, v1  }
0xdf: {  	v35 =	vor.u32 v0, v25;
	v30 =	vor.u32 v19, v25;
	[tilespmem:v26+s18+$0x0] =	vst.idx.msk $0xffff, v1  }
0xe0: {  	v36 =	vor.u32 v4, v25;
	v37 =	vor.u32 v13, v25;
	[tilespmem:v32+s18+$0x0] =	vst.idx.msk $0xffff, v1  }
0xe1: {  	v38 =	vor.u32 v16, v25;
	v32 =	vor.u32 v7, v25;
	[tilespmem:v31+s18+$0x0] =	vst.idx.msk $0xffff, v1  }
0xe2: {  	v27 =	vor.u32 v10, v25;
	v29 =	vor.u32 v20, v25;
	[tilespmem:v33+s18+$0x0] =	vst.idx.msk $0xffff, v1  }
0xe3: {  	v26 =	vor.u32 v8, v25;
	v28 =	vor.u32 v21, v25;
	[tilespmem:v34+s18+$0x0] =	vst.idx.msk $0xffff, v1  }
0xe4: {  	v33 =	vor.u32 v2, v25;
	v34 =	vor.u32 v22, v25;
	[tilespmem:v30+s18+$0x0] =	vst.idx.msk $0xffff, v1  }
0xe5: {  	v31 =	vor.u32 v24, v25;
	[tilespmem:v37+s18+$0x0] =	vst.idx.msk $0xffff, v1;
	v37 =	vor.u32 v14, v25  }
0xe6: {  	v30 =	vor.u32 v17, v25;
	[tilespmem:v36+s18+$0x0] =	vst.idx.msk $0xffff, v1;
	v36 =	vor.u32 v15, v25  }
0xe7: {  	[tilespmem:v35+s18+$0x0] =	vst.idx.msk $0xffff, v1  }
0xe8: {  	v35 =	vor.u32 v5, v25;
	[tilespmem:v32+s18+$0x0] =	vst.idx.msk $0xffff, v1  }
0xe9: {  	v39 =	vor.u32 v3, v25;
	[tilespmem:v38+s18+$0x0] =	vst.idx.msk $0xffff, v1;
	v38 =	vor.u32 v23, v25  }
0xea: {  	[tilespmem:v37+s18+$0x0] =	vst.idx.msk $0xffff, v1  }
0xeb: {  	[tilespmem:v36+s18+$0x0] =	vst.idx.msk $0xffff, v1  }
.Ltmp2:
0xec: {  	[tilespmem:v34+s18+$0x0] =	vst.idx.msk $0xffff, v1;
	(pc) =	sbr.rel @p0 .LBB2_6-.Ltmp2, $4  }
0xed: {  	v32 =	vor.u32 v6, v25;
	[tilespmem:v33+s18+$0x0] =	vst.idx.msk $0xffff, v1  }
0xee: {  	[tilespmem:v39+s18+$0x0] =	vst.idx.msk $0xffff, v1  }
0xef: {  	[tilespmem:v35+s18+$0x0] =	vst.idx.msk $0xffff, v1  }
0xf0: {  	[tilespmem:v38+s18+$0x0] =	vst.idx.msk $0xffff, v1  }
0xf1: {  	_ =	sdelay $0x3  }
0xf2: {  	[tilespmem:v31+s18+$0x0] =	vst.idx.msk $0xffff, v1  }
0xf3: {  	[tilespmem:v32+s18+$0x0] =	vst.idx.msk $0xffff, v1;
	s20 =	simm.s32 $0x0  }
0xf4: {  	v31 =	vor.u32 v18, v25;
	[tilespmem:v29+s18+$0x0] =	vst.idx.msk $0xffff, v1;
	v29 =	vmov s20  }
0xf5: {  	v52 =	vor.u32 v9, v25;
	[tilespmem:v27+s18+$0x0] =	vst.idx.msk $0xffff, v1;
	v27 =	vshrl.u32 v29, $0x3  }
0xf6: {  	[tilespmem:v30+s18+$0x0] =	vst.idx.msk $0xffff, v1;
	v29 =	vor.u32 v11, v25;
	v27 =	vshll.u32 v27, $0x3  }
0xf7: {  	[tilespmem:v26+s18+$0x0] =	vst.idx.msk $0xffff, v1;
	v25 =	vor.u32 v12, v25;
	v37 =	vbroadcast v27, $0x0  }
0xf8: {  	[tilespmem:v28+s18+$0x0] =	vst.idx.msk $0xffff, v1  }
0xf9: {  	[tilespmem:v31+s18+$0x0] =	vst.idx.msk $0xffff, v1;
	v26 =	vor.u32 v4, v37  }
0xfa: {  	[tilespmem:v52+s18+$0x0] =	vst.idx.msk $0xffff, v1;
	v27 =	vor.u32 v22, v37  }
0xfb: {  	v28 =	vor.u32 $0x2, v37;
	[tilespmem:v29+s18+$0x0] =	vst.idx.msk $0xffff, v1  }
0xfc: {  	v30 =	vor.u32 $0x6, v37;
	[tilespmem:v25+s18+$0x0] =	vst.idx.msk $0xffff, v1  }
0xfd: {  	v33 =	vor.u32 v7, v37;
	v32 =	vld.idx.msk [tilespmem:v37+s16+$0x0], $0xffff  }
0xfe: {  	v41 =	vor.u32 v10, v37;
	v31 =	vld.idx.msk [tilespmem:v26+s2+$0x0], $0xffff  }
0xff: {  	v43 =	vor.u32 v0, v37;
	v35 =	vld.idx.msk [tilespmem:v27+s2+$0x0], $0xffff  }
0x100: {  	v29 =	vor.u32 $0x5, v37;
	v26 =	vld.idx.msk [tilespmem:v28+s16+$0x0], $0xffff  }
0x101: {  	v25 =	vor.u32 $0x4, v37;
	v36 =	vld.idx.msk [tilespmem:v30+s16+$0x0], $0xffff  }
0x102: {  	v27 =	vor.u32 v13, v37;
	v33 =	vld.idx.msk [tilespmem:v33+s2+$0x0], $0xffff  }
0x103: {  	v28 =	vor.u32 v16, v37;
	v41 =	vld.idx.msk [tilespmem:v41+s2+$0x0], $0xffff  }
0x104: {  	v30 =	vor.u32 v19, v37;
	v43 =	vld.idx.msk [tilespmem:v43+s2+$0x0], $0xffff  }
0x105: {  	v34 =	vor.u32 $0x1, v37;
	v29 =	vld.idx.msk [tilespmem:v29+s16+$0x0], $0xffff  }
0x106: {  	v38 =	vor.u32 $0x3, v37;
	v25 =	vld.idx.msk [tilespmem:v25+s16+$0x0], $0xffff  }
0x107: {  	v39 =	vor.u32 $0x7, v37;
	v40 =	vld.idx.msk [tilespmem:v27+s2+$0x0], $0xffff  }
0x108: {  	v47 =	vadd.s32 v0, v32;
	v42 =	vld.idx.msk [tilespmem:v28+s2+$0x0], $0xffff  }
0x109: {  	v44 =	vld.idx.msk [tilespmem:v30+s2+$0x0], $0xffff;
	v45 =	vadd.s32 v0, v36  }
0x10a: {  	v27 =	vld.idx.msk [tilespmem:v34+s16+$0x0], $0xffff;
	v55 =	vadd.s32 v0, v26  }
0x10b: {  	v61 =	vor.u32 v2, v37;
	v28 =	vld.idx.msk [tilespmem:v38+s16+$0x0], $0xffff  }
0x10c: {  	v30 =	vld.idx.msk [tilespmem:v39+s16+$0x0], $0xffff;
	v53 =	vadd.s32 v0, v29  }
0x10d: {  	v46 =	vor.u32 v8, v37;
	[tilespmem:v47+s18+$0x0] =	vst.idx.add.f32.msk $0xffff, v43  }
0x10e: {  	v56 =	vor.u32 v20, v37;
	[tilespmem:v45+s18+$0x0] =	vst.idx.add.f32.msk $0xffff, v44  }
0x10f: {  	v54 =	vor.u32 v17, v37;
	[tilespmem:v55+s18+$0x0] =	vst.idx.add.f32.msk $0xffff, v33  }
0x110: {  	v57 =	vadd.s32 v0, v25;
	v51 =	vld.idx.msk [tilespmem:v61+s2+$0x0], $0xffff  }
0x111: {  	v58 =	vor.u32 v14, v37;
	[tilespmem:v53+s18+$0x0] =	vst.idx.add.f32.msk $0xffff, v42  }
0x112: {  	v60 =	vadd.s32 v0, v30;
	v39 =	vld.idx.msk [tilespmem:v46+s2+$0x0], $0xffff  }
0x113: {  	v63 =	vadd.s32 v2, v26;
	v62 =	vld.idx.msk [tilespmem:v56+s2+$0x0], $0xffff  }
0x114: {  	v48 =	vadd.s32 v2, v36;
	v38 =	vld.idx.msk [tilespmem:v54+s2+$0x0], $0xffff  }
0x115: {  	v52 =	vor.u32 v23, v37;
	[tilespmem:v57+s18+$0x0] =	vst.idx.add.f32.msk $0xffff, v40  }
0x116: {  	v53 =	vadd.s32 v0, v28;
	v34 =	vld.idx.msk [tilespmem:v58+s2+$0x0], $0xffff  }
0x117: {  	v59 =	vadd.s32 v2, v29;
	[tilespmem:v60+s18+$0x0] =	vst.idx.add.f32.msk $0xffff, v35  }
0x118: {  	v49 =	vor.u32 v9, v37;
	[tilespmem:v63+s18+$0x0] =	vst.idx.add.f32.msk $0xffff, v39  }
0x119: {  	v54 =	vadd.s32 v2, v32;
	[tilespmem:v48+s18+$0x0] =	vst.idx.add.f32.msk $0xffff, v62  }
0x11a: {  	v55 =	vor.u32 v11, v37;
	v43 =	vld.idx.msk [tilespmem:v52+s2+$0x0], $0xffff  }
0x11b: {  	v56 =	vor.u32 v21, v37;
	[tilespmem:v53+s18+$0x0] =	vst.idx.add.f32.msk $0xffff, v41  }
0x11c: {  	v57 =	vadd.s32 v0, v27;
	[tilespmem:v59+s18+$0x0] =	vst.idx.add.f32.msk $0xffff, v38  }
0x11d: {  	v50 =	vor.u32 v18, v37;
	v33 =	vld.idx.msk [tilespmem:v49+s2+$0x0], $0xffff  }
0x11e: {  	v58 =	vor.u32 v5, v37;
	[tilespmem:v54+s18+$0x0] =	vst.idx.add.f32.msk $0xffff, v51  }
0x11f: {  	v62 =	vor.u32 v3, v37;
	v60 =	vld.idx.msk [tilespmem:v55+s2+$0x0], $0xffff  }
0x120: {  	v59 =	vadd.s32 v2, v30;
	v42 =	vld.idx.msk [tilespmem:v56+s2+$0x0], $0xffff  }
0x121: {  	v61 =	vadd.s32 v2, v28;
	[tilespmem:v57+s18+$0x0] =	vst.idx.add.f32.msk $0xffff, v31  }
0x122: {  	v29 =	vadd.s32 v3, v29;
	v38 =	vld.idx.msk [tilespmem:v50+s2+$0x0], $0xffff  }
0x123: {  	v31 =	vadd.s32 v3, v36;
	v35 =	vld.idx.msk [tilespmem:v58+s2+$0x0], $0xffff  }
0x124: {  	v63 =	vor.u32 v24, v37;
	v36 =	vld.idx.msk [tilespmem:v62+s2+$0x0], $0xffff  }
0x125: {  	v39 =	vadd.s32 v2, v27;
	[tilespmem:v59+s18+$0x0] =	vst.idx.add.f32.msk $0xffff, v43  }
0x126: {  	v40 =	vadd.s32 v2, v25;
	[tilespmem:v61+s18+$0x0] =	vst.idx.add.f32.msk $0xffff, v60  }
0x127: {  	[tilespmem:v29+s18+$0x0] =	vst.idx.add.f32.msk $0xffff, v38;
	v38 =	vor.u32 v15, v37  }
0x128: {  	[tilespmem:v31+s18+$0x0] =	vst.idx.add.f32.msk $0xffff, v42;
	v31 =	vor.u32 v12, v37  }
0x129: {  	v29 =	vor.u32 v6, v37;
	v37 =	vadd.s32 v3, v32;
	v32 =	vld.idx.msk [tilespmem:v63+s2+$0x0], $0xffff  }
.LBB2_8:
0x12a: {  	s20 =	sadd.s32 $0x8, s20;
	[tilespmem:v39+s18+$0x0] =	vst.idx.add.f32.msk $0xffff, v35  }
0x12b: {  	v30 =	vadd.s32 v3, v30;
	v35 =	vmov s20;
	p0 =	slt.u32 s20, $0x3F8;
	[tilespmem:v40+s18+$0x0] =	vst.idx.add.f32.msk $0xffff, v34  }
0x12c: {  	v26 =	vadd.s32 v3, v26;
	v34 =	vshrl.u32 v35, $0x3;
	v35 =	vld.idx.msk [tilespmem:v38+s2+$0x0], $0xffff  }
0x12d: {  	v25 =	vadd.s32 v3, v25;
	v34 =	vshll.u32 v34, $0x3;
	v38 =	vld.idx.msk [tilespmem:v31+s2+$0x0], $0xffff  }
0x12e: {  	v28 =	vadd.s32 v3, v28;
	v31 =	vbroadcast v34, $0x0;
	[tilespmem:v37+s18+$0x0] =	vst.idx.add.f32.msk $0xffff, v36  }
0x12f: {  	v27 =	vadd.s32 v3, v27;
	v34 =	vld.idx.msk [tilespmem:v29+s2+$0x0], $0xffff  }
0x130: {  	v36 =	vor.u32 v0, v31;
	v37 =	vor.u32 v22, v31;
	[tilespmem:v30+s18+$0x0] =	vst.idx.add.f32.msk $0xffff, v32  }
0x131: {  	v30 =	vor.u32 v4, v31;
	v29 =	vor.u32 v6, v31;
	v39 =	vor.u32 $0x2, v31;
	[tilespmem:v26+s18+$0x0] =	vst.idx.add.f32.msk $0xffff, v33  }
0x132: {  	v33 =	vor.u32 $0x3, v31;
	[tilespmem:v25+s18+$0x0] =	vst.idx.add.f32.msk $0xffff, v35  }
0x133: {  	v25 =	vor.u32 $0x4, v31;
	[tilespmem:v28+s18+$0x0] =	vst.idx.add.f32.msk $0xffff, v38  }
0x134: {  	v28 =	vor.u32 $0x5, v31;
	v32 =	vld.idx.msk [tilespmem:v31+s16+$0x0], $0xffff  }
0x135: {  	v35 =	vor.u32 $0x6, v31;
	[tilespmem:v27+s18+$0x0] =	vst.idx.add.f32.msk $0xffff, v34  }
0x136: {  	v27 =	vor.u32 v7, v31;
	v38 =	vld.idx.msk [tilespmem:v30+s2+$0x0], $0xffff  }
0x137: {  	v30 =	vor.u32 $0x7, v31;
	v37 =	vld.idx.msk [tilespmem:v37+s2+$0x0], $0xffff  }
0x138: {  	v34 =	vor.u32 v13, v31;
	v26 =	vld.idx.msk [tilespmem:v39+s16+$0x0], $0xffff  }
0x139: {  	v39 =	vor.u32 v16, v31;
	v25 =	vld.idx.msk [tilespmem:v25+s16+$0x0], $0xffff  }
0x13a: {  	v41 =	vor.u32 $0x1, v31;
	v40 =	vadd.s32 v0, v32;
	v42 =	vld.idx.msk [tilespmem:v28+s16+$0x0], $0xffff  }
0x13b: {  	v28 =	vor.u32 v19, v31;
	v35 =	vld.idx.msk [tilespmem:v35+s16+$0x0], $0xffff  }
0x13c: {  	v43 =	vld.idx.msk [tilespmem:v27+s2+$0x0], $0xffff  }
0x13d: {  	v34 =	vld.idx.msk [tilespmem:v34+s2+$0x0], $0xffff  }
0x13e: {  	v44 =	vor.u32 v10, v31;
	v39 =	vld.idx.msk [tilespmem:v39+s2+$0x0], $0xffff  }
0x13f: {  	v27 =	vld.idx.msk [tilespmem:v41+s16+$0x0], $0xffff;
	v41 =	vor.u32 v14, v31  }
0x140: {  	v45 =	vadd.s32 v0, v42;
	v46 =	vld.idx.msk [tilespmem:v28+s2+$0x0], $0xffff  }
0x141: {  	v28 =	vld.idx.msk [tilespmem:v33+s16+$0x0], $0xffff;
	v33 =	vor.u32 v17, v31  }
0x142: {  	v47 =	vadd.s32 v0, v35;
	v30 =	vld.idx.msk [tilespmem:v30+s16+$0x0], $0xffff  }
0x143: {  	v48 =	vadd.s32 v0, v26;
	v44 =	vld.idx.msk [tilespmem:v44+s2+$0x0], $0xffff  }
0x144: {  	v49 =	vor.u32 v8, v31;
	v36 =	vld.idx.msk [tilespmem:v36+s2+$0x0], $0xffff  }
0x145: {  	v50 =	vadd.s32 v0, v27;
	[tilespmem:v45+s18+$0x0] =	vst.idx.add.f32.msk $0xffff, v39  }
0x146: {  	v39 =	vor.u32 v20, v31;
	v33 =	vld.idx.msk [tilespmem:v33+s2+$0x0], $0xffff  }
0x147: {  	v51 =	vadd.s32 v2, v42;
	v45 =	vadd.s32 v0, v25;
	[tilespmem:v47+s18+$0x0] =	vst.idx.add.f32.msk $0xffff, v46  }
0x148: {  	[tilespmem:v48+s18+$0x0] =	vst.idx.add.f32.msk $0xffff, v43  }
0x149: {  	v46 =	vadd.s32 v0, v30;
	v43 =	vld.idx.msk [tilespmem:v49+s2+$0x0], $0xffff  }
0x14a: {  	[tilespmem:v40+s18+$0x0] =	vst.idx.add.f32.msk $0xffff, v36  }
0x14b: {  	v36 =	vor.u32 v2, v31;
	v40 =	vadd.s32 v2, v35;
	v39 =	vld.idx.msk [tilespmem:v39+s2+$0x0], $0xffff  }
0x14c: {  	v47 =	vadd.s32 v2, v26;
	[tilespmem:v45+s18+$0x0] =	vst.idx.add.f32.msk $0xffff, v34  }
0x14d: {  	v45 =	vadd.s32 v0, v28;
	v34 =	vld.idx.msk [tilespmem:v41+s2+$0x0], $0xffff  }
0x14e: {  	v41 =	vor.u32 v9, v31;
	[tilespmem:v51+s18+$0x0] =	vst.idx.add.f32.msk $0xffff, v33  }
0x14f: {  	v48 =	vor.u32 v18, v31;
	[tilespmem:v46+s18+$0x0] =	vst.idx.add.f32.msk $0xffff, v37  }
0x150: {  	v37 =	vor.u32 v23, v31;
	v36 =	vld.idx.msk [tilespmem:v36+s2+$0x0], $0xffff  }
0x151: {  	[tilespmem:v47+s18+$0x0] =	vst.idx.add.f32.msk $0xffff, v43  }
0x152: {  	v43 =	vadd.s32 v2, v32;
	[tilespmem:v40+s18+$0x0] =	vst.idx.add.f32.msk $0xffff, v39  }
0x153: {  	v39 =	vor.u32 v11, v31;
	v33 =	vld.idx.msk [tilespmem:v41+s2+$0x0], $0xffff  }
0x154: {  	v41 =	vor.u32 v21, v31;
	v40 =	vld.idx.msk [tilespmem:v48+s2+$0x0], $0xffff  }
0x155: {  	v37 =	vld.idx.msk [tilespmem:v37+s2+$0x0], $0xffff  }
0x156: {  	v46 =	vor.u32 v5, v31;
	[tilespmem:v45+s18+$0x0] =	vst.idx.add.f32.msk $0xffff, v44;
	v44 =	vadd.s32 v2, v30  }
0x157: {  	[tilespmem:v43+s18+$0x0] =	vst.idx.add.f32.msk $0xffff, v36  }
0x158: {  	v42 =	vadd.s32 v3, v42;
	v36 =	vld.idx.msk [tilespmem:v39+s2+$0x0], $0xffff  }
0x159: {  	v43 =	vadd.s32 v2, v28;
	v41 =	vld.idx.msk [tilespmem:v41+s2+$0x0], $0xffff  }
0x15a: {  	v45 =	vadd.s32 v3, v35;
	[tilespmem:v50+s18+$0x0] =	vst.idx.add.f32.msk $0xffff, v38  }
0x15b: {  	v47 =	vor.u32 v3, v31;
	v35 =	vld.idx.msk [tilespmem:v46+s2+$0x0], $0xffff  }
0x15c: {  	[tilespmem:v44+s18+$0x0] =	vst.idx.add.f32.msk $0xffff, v37;
	v44 =	vor.u32 v24, v31  }
.Ltmp3:
0x15d: {  	v39 =	vadd.s32 v2, v27;
	[tilespmem:v42+s18+$0x0] =	vst.idx.add.f32.msk $0xffff, v40;
	(pc) =	sbr.rel @p0 .LBB2_8-.Ltmp3, $4  }
0x15e: {  	v40 =	vadd.s32 v2, v25;
	[tilespmem:v43+s18+$0x0] =	vst.idx.add.f32.msk $0xffff, v36  }
0x15f: {  	v38 =	vor.u32 v15, v31;
	[tilespmem:v45+s18+$0x0] =	vst.idx.add.f32.msk $0xffff, v41  }
0x160: {  	v31 =	vor.u32 v12, v31;
	v36 =	vld.idx.msk [tilespmem:v47+s2+$0x0], $0xffff  }
0x161: {  	v37 =	vadd.s32 v3, v32;
	v32 =	vld.idx.msk [tilespmem:v44+s2+$0x0], $0xffff  }
0x162: {  	_ =	sdelay $0x3  }
0x163: {  	[tilespmem:v39+s18+$0x0] =	vst.idx.add.f32.msk $0xffff, v35  }
0x164: {  	[tilespmem:v40+s18+$0x0] =	vst.idx.add.f32.msk $0xffff, v34;
	v30 =	vadd.s32 v3, v30  }
0x165: {  	v26 =	vadd.s32 v3, v26;
	v31 =	vld.idx.msk [tilespmem:v31+s2+$0x0], $0xffff  }
0x166: {  	v28 =	vadd.s32 v3, v28;
	v34 =	vld.idx.msk [tilespmem:v38+s2+$0x0], $0xffff  }
0x167: {  	v25 =	vadd.s32 v3, v25;
	v29 =	vld.idx.msk [tilespmem:v29+s2+$0x0], $0xffff  }
0x168: {  	v27 =	vadd.s32 v3, v27;
	[tilespmem:v37+s18+$0x0] =	vst.idx.add.f32.msk $0xffff, v36  }
0x169: {  	[tilespmem:v30+s18+$0x0] =	vst.idx.add.f32.msk $0xffff, v32  }
0x16a: {  	[tilespmem:v26+s18+$0x0] =	vst.idx.add.f32.msk $0xffff, v33  }
0x16b: {  	[tilespmem:v28+s18+$0x0] =	vst.idx.add.f32.msk $0xffff, v31  }
0x16c: {  	[tilespmem:v25+s18+$0x0] =	vst.idx.add.f32.msk $0xffff, v34  }
0x16d: {  	[tilespmem:v27+s18+$0x0] =	vst.idx.add.f32.msk $0xffff, v29  }
0x16e: {  	[hbm4b:s8+s2] =	stream.linear.scatter [tilespmem:s18], [sflag:$0x1], $0xC000, $0x38;
	[tilespmem:$0x18400] =	vst v63  }
0x16f: {  	s20 =	simm.s32 $0x0;
	_ =	swait.ge [sflag:s17], $0xC000  }
0x170: {  	v25 =	vmov s20;
	[sflag:s17] =	ssyncset.done $0x0  }
0x171: {  	v25 =	vshrl.u32 v25, $0x3;
	[sflag:s17] =	ssyncadd.s32 $0xFFFF4000  }
0x172: {  	v25 =	vshll.u32 v25, $0x3;
	[tilespmem:s16], [sflag:$0x1] =	stream.linear.gather [hbm4b:s9+s2], $0x400, $0x38;
	[tilespmem:$0x18400] =	vst v63  }
0x173: {  	v25 =	vbroadcast v25, $0x0;
	_ =	swait.ge [sflag:s17], $0x400  }
0x174: {  	[sflag:s17] =	ssyncset.done $0x0  }
0x175: {  	v26 =	vor.u32 v19, v25;
	[sflag:s17] =	ssyncadd.s32 $0xFFFFFC00  }
0x176: {  	v27 =	vor.u32 v13, v25;
	[tilespmem:s2], [sflag:$0x1] =	stream.linear.gather [hbm4b:s10+s2], $0xC000, $0x38;
	[tilespmem:$0x18400] =	vst v63  }
0x177: {  	v28 =	vor.u32 v4, v25;
	_ =	swait.ge [sflag:s17], $0xC000  }
0x178: {  	v29 =	vor.u32 v0, v25;
	[sflag:s17] =	ssyncset.done $0x0  }
0x179: {  	v30 =	vor.u32 v7, v25;
	[sflag:s17] =	ssyncadd.s32 $0xFFFF4000  }
0x17a: {  	v31 =	vor.u32 v16, v25;
	[tilespmem:v26+s18+$0x0] =	vst.idx.msk $0xffff, v1  }
0x17b: {  	v62 =	vor.u32 v5, v25;
	[tilespmem:v27+s18+$0x0] =	vst.idx.msk $0xffff, v1  }
0x17c: {  	v26 =	vor.u32 v14, v25;
	[tilespmem:v28+s18+$0x0] =	vst.idx.msk $0xffff, v1  }
0x17d: {  	v28 =	vor.u32 v22, v25;
	[tilespmem:v29+s18+$0x0] =	vst.idx.msk $0xffff, v1  }
0x17e: {  	v29 =	vor.u32 v2, v25;
	[tilespmem:v30+s18+$0x0] =	vst.idx.msk $0xffff, v1  }
0x17f: {  	v27 =	vor.u32 v15, v25;
	[tilespmem:v31+s18+$0x0] =	vst.idx.msk $0xffff, v1  }
0x180: {  	v30 =	vor.u32 v3, v25;
	[tilespmem:v62+s18+$0x0] =	vst.idx.msk $0xffff, v1  }
0x181: {  	v63 =	vor.u32 v23, v25;
	[tilespmem:v26+s18+$0x0] =	vst.idx.msk $0xffff, v1  }
0x182: {  	v31 =	vor.u32 v24, v25;
	[tilespmem:v28+s18+$0x0] =	vst.idx.msk $0xffff, v1  }
0x183: {  	v32 =	vor.u32 v6, v25;
	[tilespmem:v29+s18+$0x0] =	vst.idx.msk $0xffff, v1  }
0x184: {  	v29 =	vor.u32 v20, v25;
	[tilespmem:v27+s18+$0x0] =	vst.idx.msk $0xffff, v1  }
0x185: {  	v26 =	vor.u32 v8, v25;
	v27 =	vor.u32 v10, v25;
	[tilespmem:v30+s18+$0x0] =	vst.idx.msk $0xffff, v1  }
0x186: {  	v28 =	vor.u32 v21, v25;
	v30 =	vor.u32 v17, v25;
	[tilespmem:v63+s18+$0x0] =	vst.idx.msk $0xffff, v1  }
.LBB2_10:
0x187: {  	s20 =	sadd.s32 $0x8, s20;
	[tilespmem:v31+s18+$0x0] =	vst.idx.msk $0xffff, v1  }
0x188: {  	v31 =	vmov s20;
	p0 =	slt.u32 s20, $0x3F8;
	[tilespmem:v32+s18+$0x0] =	vst.idx.msk $0xffff, v1  }
0x189: {  	v32 =	vor.u32 v18, v25;
	v31 =	vshrl.u32 v31, $0x3;
	[tilespmem:v29+s18+$0x0] =	vst.idx.msk $0xffff, v1  }
0x18a: {  	v33 =	vor.u32 v11, v25;
	v29 =	vshll.u32 v31, $0x3;
	v31 =	vor.u32 v9, v25;
	[tilespmem:v27+s18+$0x0] =	vst.idx.msk $0xffff, v1  }
0x18b: {  	v34 =	vor.u32 v12, v25;
	v25 =	vbroadcast v29, $0x0;
	[tilespmem:v28+s18+$0x0] =	vst.idx.msk $0xffff, v1  }
0x18c: {  	[tilespmem:v30+s18+$0x0] =	vst.idx.msk $0xffff, v1  }
0x18d: {  	v35 =	vor.u32 v0, v25;
	v30 =	vor.u32 v19, v25;
	[tilespmem:v26+s18+$0x0] =	vst.idx.msk $0xffff, v1  }
0x18e: {  	v36 =	vor.u32 v4, v25;
	v37 =	vor.u32 v13, v25;
	[tilespmem:v32+s18+$0x0] =	vst.idx.msk $0xffff, v1  }
0x18f: {  	v38 =	vor.u32 v16, v25;
	v32 =	vor.u32 v7, v25;
	[tilespmem:v31+s18+$0x0] =	vst.idx.msk $0xffff, v1  }
0x190: {  	v27 =	vor.u32 v10, v25;
	v29 =	vor.u32 v20, v25;
	[tilespmem:v33+s18+$0x0] =	vst.idx.msk $0xffff, v1  }
0x191: {  	v26 =	vor.u32 v8, v25;
	v28 =	vor.u32 v21, v25;
	[tilespmem:v34+s18+$0x0] =	vst.idx.msk $0xffff, v1  }
0x192: {  	v33 =	vor.u32 v2, v25;
	v34 =	vor.u32 v22, v25;
	[tilespmem:v30+s18+$0x0] =	vst.idx.msk $0xffff, v1  }
0x193: {  	v31 =	vor.u32 v24, v25;
	[tilespmem:v37+s18+$0x0] =	vst.idx.msk $0xffff, v1;
	v37 =	vor.u32 v14, v25  }
0x194: {  	v30 =	vor.u32 v17, v25;
	[tilespmem:v36+s18+$0x0] =	vst.idx.msk $0xffff, v1;
	v36 =	vor.u32 v15, v25  }
0x195: {  	[tilespmem:v35+s18+$0x0] =	vst.idx.msk $0xffff, v1  }
0x196: {  	v35 =	vor.u32 v5, v25;
	[tilespmem:v32+s18+$0x0] =	vst.idx.msk $0xffff, v1  }
0x197: {  	v39 =	vor.u32 v3, v25;
	[tilespmem:v38+s18+$0x0] =	vst.idx.msk $0xffff, v1;
	v38 =	vor.u32 v23, v25  }
0x198: {  	[tilespmem:v37+s18+$0x0] =	vst.idx.msk $0xffff, v1  }
0x199: {  	[tilespmem:v36+s18+$0x0] =	vst.idx.msk $0xffff, v1  }
.Ltmp4:
0x19a: {  	[tilespmem:v34+s18+$0x0] =	vst.idx.msk $0xffff, v1;
	(pc) =	sbr.rel @p0 .LBB2_10-.Ltmp4, $4  }
0x19b: {  	v32 =	vor.u32 v6, v25;
	[tilespmem:v33+s18+$0x0] =	vst.idx.msk $0xffff, v1  }
0x19c: {  	[tilespmem:v39+s18+$0x0] =	vst.idx.msk $0xffff, v1  }
0x19d: {  	[tilespmem:v35+s18+$0x0] =	vst.idx.msk $0xffff, v1  }
0x19e: {  	[tilespmem:v38+s18+$0x0] =	vst.idx.msk $0xffff, v1  }
0x19f: {  	_ =	sdelay $0x3  }
0x1a0: {  	[tilespmem:v31+s18+$0x0] =	vst.idx.msk $0xffff, v1  }
0x1a1: {  	[tilespmem:v32+s18+$0x0] =	vst.idx.msk $0xffff, v1;
	s20 =	simm.s32 $0x0  }
0x1a2: {  	v31 =	vor.u32 v18, v25;
	[tilespmem:v29+s18+$0x0] =	vst.idx.msk $0xffff, v1;
	v29 =	vmov s20  }
0x1a3: {  	v52 =	vor.u32 v9, v25;
	[tilespmem:v27+s18+$0x0] =	vst.idx.msk $0xffff, v1;
	v27 =	vshrl.u32 v29, $0x3  }
0x1a4: {  	[tilespmem:v30+s18+$0x0] =	vst.idx.msk $0xffff, v1;
	v29 =	vor.u32 v11, v25;
	v27 =	vshll.u32 v27, $0x3  }
0x1a5: {  	[tilespmem:v26+s18+$0x0] =	vst.idx.msk $0xffff, v1;
	v25 =	vor.u32 v12, v25;
	v37 =	vbroadcast v27, $0x0  }
0x1a6: {  	[tilespmem:v28+s18+$0x0] =	vst.idx.msk $0xffff, v1  }
0x1a7: {  	[tilespmem:v31+s18+$0x0] =	vst.idx.msk $0xffff, v1;
	v26 =	vor.u32 v4, v37  }
0x1a8: {  	[tilespmem:v52+s18+$0x0] =	vst.idx.msk $0xffff, v1;
	v27 =	vor.u32 v22, v37  }
0x1a9: {  	v28 =	vor.u32 $0x2, v37;
	[tilespmem:v29+s18+$0x0] =	vst.idx.msk $0xffff, v1  }
0x1aa: {  	v30 =	vor.u32 $0x6, v37;
	[tilespmem:v25+s18+$0x0] =	vst.idx.msk $0xffff, v1  }
0x1ab: {  	v33 =	vor.u32 v7, v37;
	v32 =	vld.idx.msk [tilespmem:v37+s16+$0x0], $0xffff  }
0x1ac: {  	v41 =	vor.u32 v10, v37;
	v31 =	vld.idx.msk [tilespmem:v26+s2+$0x0], $0xffff  }
0x1ad: {  	v43 =	vor.u32 v0, v37;
	v35 =	vld.idx.msk [tilespmem:v27+s2+$0x0], $0xffff  }
0x1ae: {  	v29 =	vor.u32 $0x5, v37;
	v26 =	vld.idx.msk [tilespmem:v28+s16+$0x0], $0xffff  }
0x1af: {  	v25 =	vor.u32 $0x4, v37;
	v36 =	vld.idx.msk [tilespmem:v30+s16+$0x0], $0xffff  }
0x1b0: {  	v27 =	vor.u32 v13, v37;
	v33 =	vld.idx.msk [tilespmem:v33+s2+$0x0], $0xffff  }
0x1b1: {  	v28 =	vor.u32 v16, v37;
	v41 =	vld.idx.msk [tilespmem:v41+s2+$0x0], $0xffff  }
0x1b2: {  	v30 =	vor.u32 v19, v37;
	v43 =	vld.idx.msk [tilespmem:v43+s2+$0x0], $0xffff  }
0x1b3: {  	v34 =	vor.u32 $0x1, v37;
	v29 =	vld.idx.msk [tilespmem:v29+s16+$0x0], $0xffff  }
0x1b4: {  	v38 =	vor.u32 $0x3, v37;
	v25 =	vld.idx.msk [tilespmem:v25+s16+$0x0], $0xffff  }
0x1b5: {  	v39 =	vor.u32 $0x7, v37;
	v40 =	vld.idx.msk [tilespmem:v27+s2+$0x0], $0xffff  }
0x1b6: {  	v47 =	vadd.s32 v0, v32;
	v42 =	vld.idx.msk [tilespmem:v28+s2+$0x0], $0xffff  }
0x1b7: {  	v44 =	vld.idx.msk [tilespmem:v30+s2+$0x0], $0xffff;
	v45 =	vadd.s32 v0, v36  }
0x1b8: {  	v27 =	vld.idx.msk [tilespmem:v34+s16+$0x0], $0xffff;
	v55 =	vadd.s32 v0, v26  }
0x1b9: {  	v61 =	vor.u32 v2, v37;
	v28 =	vld.idx.msk [tilespmem:v38+s16+$0x0], $0xffff  }
0x1ba: {  	v30 =	vld.idx.msk [tilespmem:v39+s16+$0x0], $0xffff;
	v53 =	vadd.s32 v0, v29  }
0x1bb: {  	v46 =	vor.u32 v8, v37;
	[tilespmem:v47+s18+$0x0] =	vst.idx.add.f32.msk $0xffff, v43  }
0x1bc: {  	v56 =	vor.u32 v20, v37;
	[tilespmem:v45+s18+$0x0] =	vst.idx.add.f32.msk $0xffff, v44  }
0x1bd: {  	v54 =	vor.u32 v17, v37;
	[tilespmem:v55+s18+$0x0] =	vst.idx.add.f32.msk $0xffff, v33  }
0x1be: {  	v57 =	vadd.s32 v0, v25;
	v51 =	vld.idx.msk [tilespmem:v61+s2+$0x0], $0xffff  }
0x1bf: {  	v58 =	vor.u32 v14, v37;
	[tilespmem:v53+s18+$0x0] =	vst.idx.add.f32.msk $0xffff, v42  }
0x1c0: {  	v60 =	vadd.s32 v0, v30;
	v39 =	vld.idx.msk [tilespmem:v46+s2+$0x0], $0xffff  }
0x1c1: {  	v63 =	vadd.s32 v2, v26;
	v62 =	vld.idx.msk [tilespmem:v56+s2+$0x0], $0xffff  }
0x1c2: {  	v48 =	vadd.s32 v2, v36;
	v38 =	vld.idx.msk [tilespmem:v54+s2+$0x0], $0xffff  }
0x1c3: {  	v52 =	vor.u32 v23, v37;
	[tilespmem:v57+s18+$0x0] =	vst.idx.add.f32.msk $0xffff, v40  }
0x1c4: {  	v53 =	vadd.s32 v0, v28;
	v34 =	vld.idx.msk [tilespmem:v58+s2+$0x0], $0xffff  }
0x1c5: {  	v59 =	vadd.s32 v2, v29;
	[tilespmem:v60+s18+$0x0] =	vst.idx.add.f32.msk $0xffff, v35  }
0x1c6: {  	v49 =	vor.u32 v9, v37;
	[tilespmem:v63+s18+$0x0] =	vst.idx.add.f32.msk $0xffff, v39  }
0x1c7: {  	v54 =	vadd.s32 v2, v32;
	[tilespmem:v48+s18+$0x0] =	vst.idx.add.f32.msk $0xffff, v62  }
0x1c8: {  	v55 =	vor.u32 v11, v37;
	v43 =	vld.idx.msk [tilespmem:v52+s2+$0x0], $0xffff  }
0x1c9: {  	v56 =	vor.u32 v21, v37;
	[tilespmem:v53+s18+$0x0] =	vst.idx.add.f32.msk $0xffff, v41  }
0x1ca: {  	v57 =	vadd.s32 v0, v27;
	[tilespmem:v59+s18+$0x0] =	vst.idx.add.f32.msk $0xffff, v38  }
0x1cb: {  	v50 =	vor.u32 v18, v37;
	v33 =	vld.idx.msk [tilespmem:v49+s2+$0x0], $0xffff  }
0x1cc: {  	v58 =	vor.u32 v5, v37;
	[tilespmem:v54+s18+$0x0] =	vst.idx.add.f32.msk $0xffff, v51  }
0x1cd: {  	v62 =	vor.u32 v3, v37;
	v60 =	vld.idx.msk [tilespmem:v55+s2+$0x0], $0xffff  }
0x1ce: {  	v59 =	vadd.s32 v2, v30;
	v42 =	vld.idx.msk [tilespmem:v56+s2+$0x0], $0xffff  }
0x1cf: {  	v61 =	vadd.s32 v2, v28;
	[tilespmem:v57+s18+$0x0] =	vst.idx.add.f32.msk $0xffff, v31  }
0x1d0: {  	v29 =	vadd.s32 v3, v29;
	v38 =	vld.idx.msk [tilespmem:v50+s2+$0x0], $0xffff  }
0x1d1: {  	v31 =	vadd.s32 v3, v36;
	v35 =	vld.idx.msk [tilespmem:v58+s2+$0x0], $0xffff  }
0x1d2: {  	v63 =	vor.u32 v24, v37;
	v36 =	vld.idx.msk [tilespmem:v62+s2+$0x0], $0xffff  }
0x1d3: {  	v39 =	vadd.s32 v2, v27;
	[tilespmem:v59+s18+$0x0] =	vst.idx.add.f32.msk $0xffff, v43  }
0x1d4: {  	v40 =	vadd.s32 v2, v25;
	[tilespmem:v61+s18+$0x0] =	vst.idx.add.f32.msk $0xffff, v60  }
0x1d5: {  	[tilespmem:v29+s18+$0x0] =	vst.idx.add.f32.msk $0xffff, v38;
	v38 =	vor.u32 v15, v37  }
0x1d6: {  	[tilespmem:v31+s18+$0x0] =	vst.idx.add.f32.msk $0xffff, v42;
	v31 =	vor.u32 v12, v37  }
0x1d7: {  	v29 =	vor.u32 v6, v37;
	v37 =	vadd.s32 v3, v32;
	v32 =	vld.idx.msk [tilespmem:v63+s2+$0x0], $0xffff  }
.LBB2_12:
0x1d8: {  	s20 =	sadd.s32 $0x8, s20;
	[tilespmem:v39+s18+$0x0] =	vst.idx.add.f32.msk $0xffff, v35  }
0x1d9: {  	v30 =	vadd.s32 v3, v30;
	v35 =	vmov s20;
	p0 =	slt.u32 s20, $0x3F8;
	[tilespmem:v40+s18+$0x0] =	vst.idx.add.f32.msk $0xffff, v34  }
0x1da: {  	v26 =	vadd.s32 v3, v26;
	v34 =	vshrl.u32 v35, $0x3;
	v35 =	vld.idx.msk [tilespmem:v38+s2+$0x0], $0xffff  }
0x1db: {  	v25 =	vadd.s32 v3, v25;
	v34 =	vshll.u32 v34, $0x3;
	v38 =	vld.idx.msk [tilespmem:v31+s2+$0x0], $0xffff  }
0x1dc: {  	v28 =	vadd.s32 v3, v28;
	v31 =	vbroadcast v34, $0x0;
	[tilespmem:v37+s18+$0x0] =	vst.idx.add.f32.msk $0xffff, v36  }
0x1dd: {  	v27 =	vadd.s32 v3, v27;
	v34 =	vld.idx.msk [tilespmem:v29+s2+$0x0], $0xffff  }
0x1de: {  	v36 =	vor.u32 v0, v31;
	v37 =	vor.u32 v22, v31;
	[tilespmem:v30+s18+$0x0] =	vst.idx.add.f32.msk $0xffff, v32  }
0x1df: {  	v30 =	vor.u32 v4, v31;
	v29 =	vor.u32 v6, v31;
	v39 =	vor.u32 $0x2, v31;
	[tilespmem:v26+s18+$0x0] =	vst.idx.add.f32.msk $0xffff, v33  }
0x1e0: {  	v33 =	vor.u32 $0x3, v31;
	[tilespmem:v25+s18+$0x0] =	vst.idx.add.f32.msk $0xffff, v35  }
0x1e1: {  	v25 =	vor.u32 $0x4, v31;
	[tilespmem:v28+s18+$0x0] =	vst.idx.add.f32.msk $0xffff, v38  }
0x1e2: {  	v28 =	vor.u32 $0x5, v31;
	v32 =	vld.idx.msk [tilespmem:v31+s16+$0x0], $0xffff  }
0x1e3: {  	v35 =	vor.u32 $0x6, v31;
	[tilespmem:v27+s18+$0x0] =	vst.idx.add.f32.msk $0xffff, v34  }
0x1e4: {  	v27 =	vor.u32 v7, v31;
	v38 =	vld.idx.msk [tilespmem:v30+s2+$0x0], $0xffff  }
0x1e5: {  	v30 =	vor.u32 $0x7, v31;
	v37 =	vld.idx.msk [tilespmem:v37+s2+$0x0], $0xffff  }
0x1e6: {  	v34 =	vor.u32 v13, v31;
	v26 =	vld.idx.msk [tilespmem:v39+s16+$0x0], $0xffff  }
0x1e7: {  	v39 =	vor.u32 v16, v31;
	v25 =	vld.idx.msk [tilespmem:v25+s16+$0x0], $0xffff  }
0x1e8: {  	v41 =	vor.u32 $0x1, v31;
	v40 =	vadd.s32 v0, v32;
	v42 =	vld.idx.msk [tilespmem:v28+s16+$0x0], $0xffff  }
0x1e9: {  	v28 =	vor.u32 v19, v31;
	v35 =	vld.idx.msk [tilespmem:v35+s16+$0x0], $0xffff  }
0x1ea: {  	v43 =	vld.idx.msk [tilespmem:v27+s2+$0x0], $0xffff  }
0x1eb: {  	v34 =	vld.idx.msk [tilespmem:v34+s2+$0x0], $0xffff  }
0x1ec: {  	v44 =	vor.u32 v10, v31;
	v39 =	vld.idx.msk [tilespmem:v39+s2+$0x0], $0xffff  }
0x1ed: {  	v27 =	vld.idx.msk [tilespmem:v41+s16+$0x0], $0xffff;
	v41 =	vor.u32 v14, v31  }
0x1ee: {  	v45 =	vadd.s32 v0, v42;
	v46 =	vld.idx.msk [tilespmem:v28+s2+$0x0], $0xffff  }
0x1ef: {  	v28 =	vld.idx.msk [tilespmem:v33+s16+$0x0], $0xffff;
	v33 =	vor.u32 v17, v31  }
0x1f0: {  	v47 =	vadd.s32 v0, v35;
	v30 =	vld.idx.msk [tilespmem:v30+s16+$0x0], $0xffff  }
0x1f1: {  	v48 =	vadd.s32 v0, v26;
	v44 =	vld.idx.msk [tilespmem:v44+s2+$0x0], $0xffff  }
0x1f2: {  	v49 =	vor.u32 v8, v31;
	v36 =	vld.idx.msk [tilespmem:v36+s2+$0x0], $0xffff  }
0x1f3: {  	v50 =	vadd.s32 v0, v27;
	[tilespmem:v45+s18+$0x0] =	vst.idx.add.f32.msk $0xffff, v39  }
0x1f4: {  	v39 =	vor.u32 v20, v31;
	v33 =	vld.idx.msk [tilespmem:v33+s2+$0x0], $0xffff  }
0x1f5: {  	v51 =	vadd.s32 v2, v42;
	v45 =	vadd.s32 v0, v25;
	[tilespmem:v47+s18+$0x0] =	vst.idx.add.f32.msk $0xffff, v46  }
0x1f6: {  	[tilespmem:v48+s18+$0x0] =	vst.idx.add.f32.msk $0xffff, v43  }
0x1f7: {  	v46 =	vadd.s32 v0, v30;
	v43 =	vld.idx.msk [tilespmem:v49+s2+$0x0], $0xffff  }
0x1f8: {  	[tilespmem:v40+s18+$0x0] =	vst.idx.add.f32.msk $0xffff, v36  }
0x1f9: {  	v36 =	vor.u32 v2, v31;
	v40 =	vadd.s32 v2, v35;
	v39 =	vld.idx.msk [tilespmem:v39+s2+$0x0], $0xffff  }
0x1fa: {  	v47 =	vadd.s32 v2, v26;
	[tilespmem:v45+s18+$0x0] =	vst.idx.add.f32.msk $0xffff, v34  }
0x1fb: {  	v45 =	vadd.s32 v0, v28;
	v34 =	vld.idx.msk [tilespmem:v41+s2+$0x0], $0xffff  }
0x1fc: {  	v41 =	vor.u32 v9, v31;
	[tilespmem:v51+s18+$0x0] =	vst.idx.add.f32.msk $0xffff, v33  }
0x1fd: {  	v48 =	vor.u32 v18, v31;
	[tilespmem:v46+s18+$0x0] =	vst.idx.add.f32.msk $0xffff, v37  }
0x1fe: {  	v37 =	vor.u32 v23, v31;
	v36 =	vld.idx.msk [tilespmem:v36+s2+$0x0], $0xffff  }
0x1ff: {  	[tilespmem:v47+s18+$0x0] =	vst.idx.add.f32.msk $0xffff, v43  }
0x200: {  	v43 =	vadd.s32 v2, v32;
	[tilespmem:v40+s18+$0x0] =	vst.idx.add.f32.msk $0xffff, v39  }
0x201: {  	v39 =	vor.u32 v11, v31;
	v33 =	vld.idx.msk [tilespmem:v41+s2+$0x0], $0xffff  }
0x202: {  	v41 =	vor.u32 v21, v31;
	v40 =	vld.idx.msk [tilespmem:v48+s2+$0x0], $0xffff  }
0x203: {  	v37 =	vld.idx.msk [tilespmem:v37+s2+$0x0], $0xffff  }
0x204: {  	v46 =	vor.u32 v5, v31;
	[tilespmem:v45+s18+$0x0] =	vst.idx.add.f32.msk $0xffff, v44;
	v44 =	vadd.s32 v2, v30  }
0x205: {  	[tilespmem:v43+s18+$0x0] =	vst.idx.add.f32.msk $0xffff, v36  }
0x206: {  	v42 =	vadd.s32 v3, v42;
	v36 =	vld.idx.msk [tilespmem:v39+s2+$0x0], $0xffff  }
0x207: {  	v43 =	vadd.s32 v2, v28;
	v41 =	vld.idx.msk [tilespmem:v41+s2+$0x0], $0xffff  }
0x208: {  	v45 =	vadd.s32 v3, v35;
	[tilespmem:v50+s18+$0x0] =	vst.idx.add.f32.msk $0xffff, v38  }
0x209: {  	v47 =	vor.u32 v3, v31;
	v35 =	vld.idx.msk [tilespmem:v46+s2+$0x0], $0xffff  }
0x20a: {  	[tilespmem:v44+s18+$0x0] =	vst.idx.add.f32.msk $0xffff, v37;
	v44 =	vor.u32 v24, v31  }
.Ltmp5:
0x20b: {  	v39 =	vadd.s32 v2, v27;
	[tilespmem:v42+s18+$0x0] =	vst.idx.add.f32.msk $0xffff, v40;
	(pc) =	sbr.rel @p0 .LBB2_12-.Ltmp5, $4  }
0x20c: {  	v40 =	vadd.s32 v2, v25;
	[tilespmem:v43+s18+$0x0] =	vst.idx.add.f32.msk $0xffff, v36  }
0x20d: {  	v38 =	vor.u32 v15, v31;
	[tilespmem:v45+s18+$0x0] =	vst.idx.add.f32.msk $0xffff, v41  }
0x20e: {  	v31 =	vor.u32 v12, v31;
	v36 =	vld.idx.msk [tilespmem:v47+s2+$0x0], $0xffff  }
0x20f: {  	v37 =	vadd.s32 v3, v32;
	v32 =	vld.idx.msk [tilespmem:v44+s2+$0x0], $0xffff  }
0x210: {  	_ =	sdelay $0x3  }
0x211: {  	[tilespmem:v39+s18+$0x0] =	vst.idx.add.f32.msk $0xffff, v35  }
0x212: {  	[tilespmem:v40+s18+$0x0] =	vst.idx.add.f32.msk $0xffff, v34;
	v30 =	vadd.s32 v3, v30  }
0x213: {  	v26 =	vadd.s32 v3, v26;
	v31 =	vld.idx.msk [tilespmem:v31+s2+$0x0], $0xffff  }
0x214: {  	v28 =	vadd.s32 v3, v28;
	v34 =	vld.idx.msk [tilespmem:v38+s2+$0x0], $0xffff  }
0x215: {  	v25 =	vadd.s32 v3, v25;
	v29 =	vld.idx.msk [tilespmem:v29+s2+$0x0], $0xffff  }
0x216: {  	v27 =	vadd.s32 v3, v27;
	[tilespmem:v37+s18+$0x0] =	vst.idx.add.f32.msk $0xffff, v36  }
0x217: {  	[tilespmem:v30+s18+$0x0] =	vst.idx.add.f32.msk $0xffff, v32  }
0x218: {  	[tilespmem:v26+s18+$0x0] =	vst.idx.add.f32.msk $0xffff, v33  }
0x219: {  	[tilespmem:v28+s18+$0x0] =	vst.idx.add.f32.msk $0xffff, v31  }
0x21a: {  	[tilespmem:v25+s18+$0x0] =	vst.idx.add.f32.msk $0xffff, v34  }
0x21b: {  	[tilespmem:v27+s18+$0x0] =	vst.idx.add.f32.msk $0xffff, v29  }
0x21c: {  	[hbm4b:s11+s2] =	stream.linear.scatter [tilespmem:s18], [sflag:$0x1], $0xC000, $0x38;
	[tilespmem:$0x18400] =	vst v63  }
0x21d: {  	s20 =	simm.s32 $0x0;
	_ =	swait.ge [sflag:s17], $0xC000  }
0x21e: {  	v25 =	vmov s20;
	[sflag:s17] =	ssyncset.done $0x0  }
0x21f: {  	v25 =	vshrl.u32 v25, $0x3;
	[sflag:s17] =	ssyncadd.s32 $0xFFFF4000  }
0x220: {  	v25 =	vshll.u32 v25, $0x3;
	[tilespmem:s16], [sflag:$0x1] =	stream.linear.gather [hbm4b:s12+s2], $0x400, $0x38;
	[tilespmem:$0x18400] =	vst v63  }
0x221: {  	v25 =	vbroadcast v25, $0x0;
	_ =	swait.ge [sflag:s17], $0x400  }
0x222: {  	[sflag:s17] =	ssyncset.done $0x0  }
0x223: {  	v26 =	vor.u32 v19, v25;
	[sflag:s17] =	ssyncadd.s32 $0xFFFFFC00  }
0x224: {  	v27 =	vor.u32 v13, v25;
	[tilespmem:s2], [sflag:$0x1] =	stream.linear.gather [hbm4b:s13+s2], $0xC000, $0x38;
	[tilespmem:$0x18400] =	vst v63  }
0x225: {  	v28 =	vor.u32 v4, v25;
	_ =	swait.ge [sflag:s17], $0xC000  }
0x226: {  	v29 =	vor.u32 v0, v25;
	[sflag:s17] =	ssyncset.done $0x0  }
0x227: {  	v30 =	vor.u32 v7, v25;
	[sflag:s17] =	ssyncadd.s32 $0xFFFF4000  }
0x228: {  	v31 =	vor.u32 v16, v25;
	[tilespmem:v26+s18+$0x0] =	vst.idx.msk $0xffff, v1  }
0x229: {  	v62 =	vor.u32 v5, v25;
	[tilespmem:v27+s18+$0x0] =	vst.idx.msk $0xffff, v1  }
0x22a: {  	v26 =	vor.u32 v14, v25;
	[tilespmem:v28+s18+$0x0] =	vst.idx.msk $0xffff, v1  }
0x22b: {  	v28 =	vor.u32 v22, v25;
	[tilespmem:v29+s18+$0x0] =	vst.idx.msk $0xffff, v1  }
0x22c: {  	v29 =	vor.u32 v2, v25;
	[tilespmem:v30+s18+$0x0] =	vst.idx.msk $0xffff, v1  }
0x22d: {  	v27 =	vor.u32 v15, v25;
	[tilespmem:v31+s18+$0x0] =	vst.idx.msk $0xffff, v1  }
0x22e: {  	v30 =	vor.u32 v3, v25;
	[tilespmem:v62+s18+$0x0] =	vst.idx.msk $0xffff, v1  }
0x22f: {  	v63 =	vor.u32 v23, v25;
	[tilespmem:v26+s18+$0x0] =	vst.idx.msk $0xffff, v1  }
0x230: {  	v31 =	vor.u32 v24, v25;
	[tilespmem:v28+s18+$0x0] =	vst.idx.msk $0xffff, v1  }
0x231: {  	v32 =	vor.u32 v6, v25;
	[tilespmem:v29+s18+$0x0] =	vst.idx.msk $0xffff, v1  }
0x232: {  	v29 =	vor.u32 v20, v25;
	[tilespmem:v27+s18+$0x0] =	vst.idx.msk $0xffff, v1  }
0x233: {  	v26 =	vor.u32 v8, v25;
	v27 =	vor.u32 v10, v25;
	[tilespmem:v30+s18+$0x0] =	vst.idx.msk $0xffff, v1  }
0x234: {  	v28 =	vor.u32 v21, v25;
	v30 =	vor.u32 v17, v25;
	[tilespmem:v63+s18+$0x0] =	vst.idx.msk $0xffff, v1  }
.LBB2_14:
0x235: {  	s20 =	sadd.s32 $0x8, s20;
	[tilespmem:v31+s18+$0x0] =	vst.idx.msk $0xffff, v1  }
0x236: {  	v31 =	vmov s20;
	p0 =	slt.u32 s20, $0x3F8;
	[tilespmem:v32+s18+$0x0] =	vst.idx.msk $0xffff, v1  }
0x237: {  	v32 =	vor.u32 v18, v25;
	v31 =	vshrl.u32 v31, $0x3;
	[tilespmem:v29+s18+$0x0] =	vst.idx.msk $0xffff, v1  }
0x238: {  	v33 =	vor.u32 v11, v25;
	v29 =	vshll.u32 v31, $0x3;
	v31 =	vor.u32 v9, v25;
	[tilespmem:v27+s18+$0x0] =	vst.idx.msk $0xffff, v1  }
0x239: {  	v34 =	vor.u32 v12, v25;
	v25 =	vbroadcast v29, $0x0;
	[tilespmem:v28+s18+$0x0] =	vst.idx.msk $0xffff, v1  }
0x23a: {  	[tilespmem:v30+s18+$0x0] =	vst.idx.msk $0xffff, v1  }
0x23b: {  	v35 =	vor.u32 v0, v25;
	v30 =	vor.u32 v19, v25;
	[tilespmem:v26+s18+$0x0] =	vst.idx.msk $0xffff, v1  }
0x23c: {  	v36 =	vor.u32 v4, v25;
	v37 =	vor.u32 v13, v25;
	[tilespmem:v32+s18+$0x0] =	vst.idx.msk $0xffff, v1  }
0x23d: {  	v38 =	vor.u32 v16, v25;
	v32 =	vor.u32 v7, v25;
	[tilespmem:v31+s18+$0x0] =	vst.idx.msk $0xffff, v1  }
0x23e: {  	v27 =	vor.u32 v10, v25;
	v29 =	vor.u32 v20, v25;
	[tilespmem:v33+s18+$0x0] =	vst.idx.msk $0xffff, v1  }
0x23f: {  	v26 =	vor.u32 v8, v25;
	v28 =	vor.u32 v21, v25;
	[tilespmem:v34+s18+$0x0] =	vst.idx.msk $0xffff, v1  }
0x240: {  	v33 =	vor.u32 v2, v25;
	v34 =	vor.u32 v22, v25;
	[tilespmem:v30+s18+$0x0] =	vst.idx.msk $0xffff, v1  }
0x241: {  	v31 =	vor.u32 v24, v25;
	[tilespmem:v37+s18+$0x0] =	vst.idx.msk $0xffff, v1;
	v37 =	vor.u32 v14, v25  }
0x242: {  	v30 =	vor.u32 v17, v25;
	[tilespmem:v36+s18+$0x0] =	vst.idx.msk $0xffff, v1;
	v36 =	vor.u32 v15, v25  }
0x243: {  	[tilespmem:v35+s18+$0x0] =	vst.idx.msk $0xffff, v1  }
0x244: {  	v35 =	vor.u32 v5, v25;
	[tilespmem:v32+s18+$0x0] =	vst.idx.msk $0xffff, v1  }
0x245: {  	v39 =	vor.u32 v3, v25;
	[tilespmem:v38+s18+$0x0] =	vst.idx.msk $0xffff, v1;
	v38 =	vor.u32 v23, v25  }
0x246: {  	[tilespmem:v37+s18+$0x0] =	vst.idx.msk $0xffff, v1  }
0x247: {  	[tilespmem:v36+s18+$0x0] =	vst.idx.msk $0xffff, v1  }
.Ltmp6:
0x248: {  	[tilespmem:v34+s18+$0x0] =	vst.idx.msk $0xffff, v1;
	(pc) =	sbr.rel @p0 .LBB2_14-.Ltmp6, $4  }
0x249: {  	v32 =	vor.u32 v6, v25;
	[tilespmem:v33+s18+$0x0] =	vst.idx.msk $0xffff, v1  }
0x24a: {  	[tilespmem:v39+s18+$0x0] =	vst.idx.msk $0xffff, v1  }
0x24b: {  	[tilespmem:v35+s18+$0x0] =	vst.idx.msk $0xffff, v1  }
0x24c: {  	[tilespmem:v38+s18+$0x0] =	vst.idx.msk $0xffff, v1  }
0x24d: {  	_ =	sdelay $0x3  }
0x24e: {  	[tilespmem:v31+s18+$0x0] =	vst.idx.msk $0xffff, v1  }
0x24f: {  	[tilespmem:v32+s18+$0x0] =	vst.idx.msk $0xffff, v1;
	s20 =	simm.s32 $0x0  }
0x250: {  	v31 =	vor.u32 v18, v25;
	[tilespmem:v29+s18+$0x0] =	vst.idx.msk $0xffff, v1;
	v29 =	vmov s20  }
0x251: {  	v52 =	vor.u32 v9, v25;
	[tilespmem:v27+s18+$0x0] =	vst.idx.msk $0xffff, v1;
	v27 =	vshrl.u32 v29, $0x3  }
0x252: {  	[tilespmem:v30+s18+$0x0] =	vst.idx.msk $0xffff, v1;
	v29 =	vor.u32 v11, v25;
	v27 =	vshll.u32 v27, $0x3  }
0x253: {  	[tilespmem:v26+s18+$0x0] =	vst.idx.msk $0xffff, v1;
	v25 =	vor.u32 v12, v25;
	v37 =	vbroadcast v27, $0x0  }
0x254: {  	[tilespmem:v28+s18+$0x0] =	vst.idx.msk $0xffff, v1  }
0x255: {  	[tilespmem:v31+s18+$0x0] =	vst.idx.msk $0xffff, v1;
	v26 =	vor.u32 v4, v37  }
0x256: {  	[tilespmem:v52+s18+$0x0] =	vst.idx.msk $0xffff, v1;
	v27 =	vor.u32 v22, v37  }
0x257: {  	v28 =	vor.u32 $0x2, v37;
	[tilespmem:v29+s18+$0x0] =	vst.idx.msk $0xffff, v1  }
0x258: {  	v30 =	vor.u32 $0x6, v37;
	[tilespmem:v25+s18+$0x0] =	vst.idx.msk $0xffff, v1  }
0x259: {  	v33 =	vor.u32 v7, v37;
	v32 =	vld.idx.msk [tilespmem:v37+s16+$0x0], $0xffff  }
0x25a: {  	v41 =	vor.u32 v10, v37;
	v31 =	vld.idx.msk [tilespmem:v26+s2+$0x0], $0xffff  }
0x25b: {  	v43 =	vor.u32 v0, v37;
	v35 =	vld.idx.msk [tilespmem:v27+s2+$0x0], $0xffff  }
0x25c: {  	v29 =	vor.u32 $0x5, v37;
	v26 =	vld.idx.msk [tilespmem:v28+s16+$0x0], $0xffff  }
0x25d: {  	v25 =	vor.u32 $0x4, v37;
	v36 =	vld.idx.msk [tilespmem:v30+s16+$0x0], $0xffff  }
0x25e: {  	v27 =	vor.u32 v13, v37;
	v33 =	vld.idx.msk [tilespmem:v33+s2+$0x0], $0xffff  }
0x25f: {  	v28 =	vor.u32 v16, v37;
	v41 =	vld.idx.msk [tilespmem:v41+s2+$0x0], $0xffff  }
0x260: {  	v30 =	vor.u32 v19, v37;
	v43 =	vld.idx.msk [tilespmem:v43+s2+$0x0], $0xffff  }
0x261: {  	v34 =	vor.u32 $0x1, v37;
	v29 =	vld.idx.msk [tilespmem:v29+s16+$0x0], $0xffff  }
0x262: {  	v38 =	vor.u32 $0x3, v37;
	v25 =	vld.idx.msk [tilespmem:v25+s16+$0x0], $0xffff  }
0x263: {  	v39 =	vor.u32 $0x7, v37;
	v40 =	vld.idx.msk [tilespmem:v27+s2+$0x0], $0xffff  }
0x264: {  	v47 =	vadd.s32 v0, v32;
	v42 =	vld.idx.msk [tilespmem:v28+s2+$0x0], $0xffff  }
0x265: {  	v44 =	vld.idx.msk [tilespmem:v30+s2+$0x0], $0xffff;
	v45 =	vadd.s32 v0, v36  }
0x266: {  	v27 =	vld.idx.msk [tilespmem:v34+s16+$0x0], $0xffff;
	v55 =	vadd.s32 v0, v26  }
0x267: {  	v61 =	vor.u32 v2, v37;
	v28 =	vld.idx.msk [tilespmem:v38+s16+$0x0], $0xffff  }
0x268: {  	v30 =	vld.idx.msk [tilespmem:v39+s16+$0x0], $0xffff;
	v53 =	vadd.s32 v0, v29  }
0x269: {  	v46 =	vor.u32 v8, v37;
	[tilespmem:v47+s18+$0x0] =	vst.idx.add.f32.msk $0xffff, v43  }
0x26a: {  	v56 =	vor.u32 v20, v37;
	[tilespmem:v45+s18+$0x0] =	vst.idx.add.f32.msk $0xffff, v44  }
0x26b: {  	v54 =	vor.u32 v17, v37;
	[tilespmem:v55+s18+$0x0] =	vst.idx.add.f32.msk $0xffff, v33  }
0x26c: {  	v57 =	vadd.s32 v0, v25;
	v51 =	vld.idx.msk [tilespmem:v61+s2+$0x0], $0xffff  }
0x26d: {  	v58 =	vor.u32 v14, v37;
	[tilespmem:v53+s18+$0x0] =	vst.idx.add.f32.msk $0xffff, v42  }
0x26e: {  	v60 =	vadd.s32 v0, v30;
	v39 =	vld.idx.msk [tilespmem:v46+s2+$0x0], $0xffff  }
0x26f: {  	v63 =	vadd.s32 v2, v26;
	v62 =	vld.idx.msk [tilespmem:v56+s2+$0x0], $0xffff  }
0x270: {  	v48 =	vadd.s32 v2, v36;
	v38 =	vld.idx.msk [tilespmem:v54+s2+$0x0], $0xffff  }
0x271: {  	v52 =	vor.u32 v23, v37;
	[tilespmem:v57+s18+$0x0] =	vst.idx.add.f32.msk $0xffff, v40  }
0x272: {  	v53 =	vadd.s32 v0, v28;
	v34 =	vld.idx.msk [tilespmem:v58+s2+$0x0], $0xffff  }
0x273: {  	v59 =	vadd.s32 v2, v29;
	[tilespmem:v60+s18+$0x0] =	vst.idx.add.f32.msk $0xffff, v35  }
0x274: {  	v49 =	vor.u32 v9, v37;
	[tilespmem:v63+s18+$0x0] =	vst.idx.add.f32.msk $0xffff, v39  }
0x275: {  	v54 =	vadd.s32 v2, v32;
	[tilespmem:v48+s18+$0x0] =	vst.idx.add.f32.msk $0xffff, v62  }
0x276: {  	v55 =	vor.u32 v11, v37;
	v43 =	vld.idx.msk [tilespmem:v52+s2+$0x0], $0xffff  }
0x277: {  	v56 =	vor.u32 v21, v37;
	[tilespmem:v53+s18+$0x0] =	vst.idx.add.f32.msk $0xffff, v41  }
0x278: {  	v57 =	vadd.s32 v0, v27;
	[tilespmem:v59+s18+$0x0] =	vst.idx.add.f32.msk $0xffff, v38  }
0x279: {  	v50 =	vor.u32 v18, v37;
	v33 =	vld.idx.msk [tilespmem:v49+s2+$0x0], $0xffff  }
0x27a: {  	v58 =	vor.u32 v5, v37;
	[tilespmem:v54+s18+$0x0] =	vst.idx.add.f32.msk $0xffff, v51  }
0x27b: {  	v62 =	vor.u32 v3, v37;
	v60 =	vld.idx.msk [tilespmem:v55+s2+$0x0], $0xffff  }
0x27c: {  	v59 =	vadd.s32 v2, v30;
	v42 =	vld.idx.msk [tilespmem:v56+s2+$0x0], $0xffff  }
0x27d: {  	v61 =	vadd.s32 v2, v28;
	[tilespmem:v57+s18+$0x0] =	vst.idx.add.f32.msk $0xffff, v31  }
0x27e: {  	v29 =	vadd.s32 v3, v29;
	v38 =	vld.idx.msk [tilespmem:v50+s2+$0x0], $0xffff  }
0x27f: {  	v31 =	vadd.s32 v3, v36;
	v35 =	vld.idx.msk [tilespmem:v58+s2+$0x0], $0xffff  }
0x280: {  	v63 =	vor.u32 v24, v37;
	v36 =	vld.idx.msk [tilespmem:v62+s2+$0x0], $0xffff  }
0x281: {  	v39 =	vadd.s32 v2, v27;
	[tilespmem:v59+s18+$0x0] =	vst.idx.add.f32.msk $0xffff, v43  }
0x282: {  	v40 =	vadd.s32 v2, v25;
	[tilespmem:v61+s18+$0x0] =	vst.idx.add.f32.msk $0xffff, v60  }
0x283: {  	[tilespmem:v29+s18+$0x0] =	vst.idx.add.f32.msk $0xffff, v38;
	v38 =	vor.u32 v15, v37  }
0x284: {  	[tilespmem:v31+s18+$0x0] =	vst.idx.add.f32.msk $0xffff, v42;
	v31 =	vor.u32 v12, v37  }
0x285: {  	v29 =	vor.u32 v6, v37;
	v37 =	vadd.s32 v3, v32;
	v32 =	vld.idx.msk [tilespmem:v63+s2+$0x0], $0xffff  }
.LBB2_16:
0x286: {  	s20 =	sadd.s32 $0x8, s20;
	[tilespmem:v39+s18+$0x0] =	vst.idx.add.f32.msk $0xffff, v35  }
0x287: {  	v30 =	vadd.s32 v3, v30;
	v35 =	vmov s20;
	p0 =	slt.u32 s20, $0x3F8;
	[tilespmem:v40+s18+$0x0] =	vst.idx.add.f32.msk $0xffff, v34  }
0x288: {  	v26 =	vadd.s32 v3, v26;
	v34 =	vshrl.u32 v35, $0x3;
	v35 =	vld.idx.msk [tilespmem:v38+s2+$0x0], $0xffff  }
0x289: {  	v25 =	vadd.s32 v3, v25;
	v34 =	vshll.u32 v34, $0x3;
	v38 =	vld.idx.msk [tilespmem:v31+s2+$0x0], $0xffff  }
0x28a: {  	v28 =	vadd.s32 v3, v28;
	v31 =	vbroadcast v34, $0x0;
	[tilespmem:v37+s18+$0x0] =	vst.idx.add.f32.msk $0xffff, v36  }
0x28b: {  	v27 =	vadd.s32 v3, v27;
	v34 =	vld.idx.msk [tilespmem:v29+s2+$0x0], $0xffff  }
0x28c: {  	v36 =	vor.u32 v0, v31;
	v37 =	vor.u32 v22, v31;
	[tilespmem:v30+s18+$0x0] =	vst.idx.add.f32.msk $0xffff, v32  }
0x28d: {  	v30 =	vor.u32 v4, v31;
	v29 =	vor.u32 v6, v31;
	v39 =	vor.u32 $0x2, v31;
	[tilespmem:v26+s18+$0x0] =	vst.idx.add.f32.msk $0xffff, v33  }
0x28e: {  	v33 =	vor.u32 $0x3, v31;
	[tilespmem:v25+s18+$0x0] =	vst.idx.add.f32.msk $0xffff, v35  }
0x28f: {  	v25 =	vor.u32 $0x4, v31;
	[tilespmem:v28+s18+$0x0] =	vst.idx.add.f32.msk $0xffff, v38  }
0x290: {  	v28 =	vor.u32 $0x5, v31;
	v32 =	vld.idx.msk [tilespmem:v31+s16+$0x0], $0xffff  }
0x291: {  	v35 =	vor.u32 $0x6, v31;
	[tilespmem:v27+s18+$0x0] =	vst.idx.add.f32.msk $0xffff, v34  }
0x292: {  	v27 =	vor.u32 v7, v31;
	v38 =	vld.idx.msk [tilespmem:v30+s2+$0x0], $0xffff  }
0x293: {  	v30 =	vor.u32 $0x7, v31;
	v37 =	vld.idx.msk [tilespmem:v37+s2+$0x0], $0xffff  }
0x294: {  	v34 =	vor.u32 v13, v31;
	v26 =	vld.idx.msk [tilespmem:v39+s16+$0x0], $0xffff  }
0x295: {  	v39 =	vor.u32 v16, v31;
	v25 =	vld.idx.msk [tilespmem:v25+s16+$0x0], $0xffff  }
0x296: {  	v41 =	vor.u32 $0x1, v31;
	v40 =	vadd.s32 v0, v32;
	v42 =	vld.idx.msk [tilespmem:v28+s16+$0x0], $0xffff  }
0x297: {  	v28 =	vor.u32 v19, v31;
	v35 =	vld.idx.msk [tilespmem:v35+s16+$0x0], $0xffff  }
0x298: {  	v43 =	vld.idx.msk [tilespmem:v27+s2+$0x0], $0xffff  }
0x299: {  	v34 =	vld.idx.msk [tilespmem:v34+s2+$0x0], $0xffff  }
0x29a: {  	v44 =	vor.u32 v10, v31;
	v39 =	vld.idx.msk [tilespmem:v39+s2+$0x0], $0xffff  }
0x29b: {  	v27 =	vld.idx.msk [tilespmem:v41+s16+$0x0], $0xffff;
	v41 =	vor.u32 v14, v31  }
0x29c: {  	v45 =	vadd.s32 v0, v42;
	v46 =	vld.idx.msk [tilespmem:v28+s2+$0x0], $0xffff  }
0x29d: {  	v28 =	vld.idx.msk [tilespmem:v33+s16+$0x0], $0xffff;
	v33 =	vor.u32 v17, v31  }
0x29e: {  	v47 =	vadd.s32 v0, v35;
	v30 =	vld.idx.msk [tilespmem:v30+s16+$0x0], $0xffff  }
0x29f: {  	v48 =	vadd.s32 v0, v26;
	v44 =	vld.idx.msk [tilespmem:v44+s2+$0x0], $0xffff  }
0x2a0: {  	v49 =	vor.u32 v8, v31;
	v36 =	vld.idx.msk [tilespmem:v36+s2+$0x0], $0xffff  }
0x2a1: {  	v50 =	vadd.s32 v0, v27;
	[tilespmem:v45+s18+$0x0] =	vst.idx.add.f32.msk $0xffff, v39  }
0x2a2: {  	v39 =	vor.u32 v20, v31;
	v33 =	vld.idx.msk [tilespmem:v33+s2+$0x0], $0xffff  }
0x2a3: {  	v51 =	vadd.s32 v2, v42;
	v45 =	vadd.s32 v0, v25;
	[tilespmem:v47+s18+$0x0] =	vst.idx.add.f32.msk $0xffff, v46  }
0x2a4: {  	[tilespmem:v48+s18+$0x0] =	vst.idx.add.f32.msk $0xffff, v43  }
0x2a5: {  	v46 =	vadd.s32 v0, v30;
	v43 =	vld.idx.msk [tilespmem:v49+s2+$0x0], $0xffff  }
0x2a6: {  	[tilespmem:v40+s18+$0x0] =	vst.idx.add.f32.msk $0xffff, v36  }
0x2a7: {  	v36 =	vor.u32 v2, v31;
	v40 =	vadd.s32 v2, v35;
	v39 =	vld.idx.msk [tilespmem:v39+s2+$0x0], $0xffff  }
0x2a8: {  	v47 =	vadd.s32 v2, v26;
	[tilespmem:v45+s18+$0x0] =	vst.idx.add.f32.msk $0xffff, v34  }
0x2a9: {  	v45 =	vadd.s32 v0, v28;
	v34 =	vld.idx.msk [tilespmem:v41+s2+$0x0], $0xffff  }
0x2aa: {  	v41 =	vor.u32 v9, v31;
	[tilespmem:v51+s18+$0x0] =	vst.idx.add.f32.msk $0xffff, v33  }
0x2ab: {  	v48 =	vor.u32 v18, v31;
	[tilespmem:v46+s18+$0x0] =	vst.idx.add.f32.msk $0xffff, v37  }
0x2ac: {  	v37 =	vor.u32 v23, v31;
	v36 =	vld.idx.msk [tilespmem:v36+s2+$0x0], $0xffff  }
0x2ad: {  	[tilespmem:v47+s18+$0x0] =	vst.idx.add.f32.msk $0xffff, v43  }
0x2ae: {  	v43 =	vadd.s32 v2, v32;
	[tilespmem:v40+s18+$0x0] =	vst.idx.add.f32.msk $0xffff, v39  }
0x2af: {  	v39 =	vor.u32 v11, v31;
	v33 =	vld.idx.msk [tilespmem:v41+s2+$0x0], $0xffff  }
0x2b0: {  	v41 =	vor.u32 v21, v31;
	v40 =	vld.idx.msk [tilespmem:v48+s2+$0x0], $0xffff  }
0x2b1: {  	v37 =	vld.idx.msk [tilespmem:v37+s2+$0x0], $0xffff  }
0x2b2: {  	v46 =	vor.u32 v5, v31;
	[tilespmem:v45+s18+$0x0] =	vst.idx.add.f32.msk $0xffff, v44;
	v44 =	vadd.s32 v2, v30  }
0x2b3: {  	[tilespmem:v43+s18+$0x0] =	vst.idx.add.f32.msk $0xffff, v36  }
0x2b4: {  	v42 =	vadd.s32 v3, v42;
	v36 =	vld.idx.msk [tilespmem:v39+s2+$0x0], $0xffff  }
0x2b5: {  	v43 =	vadd.s32 v2, v28;
	v41 =	vld.idx.msk [tilespmem:v41+s2+$0x0], $0xffff  }
0x2b6: {  	v45 =	vadd.s32 v3, v35;
	[tilespmem:v50+s18+$0x0] =	vst.idx.add.f32.msk $0xffff, v38  }
0x2b7: {  	v47 =	vor.u32 v3, v31;
	v35 =	vld.idx.msk [tilespmem:v46+s2+$0x0], $0xffff  }
0x2b8: {  	[tilespmem:v44+s18+$0x0] =	vst.idx.add.f32.msk $0xffff, v37;
	v44 =	vor.u32 v24, v31  }
.Ltmp7:
0x2b9: {  	v39 =	vadd.s32 v2, v27;
	[tilespmem:v42+s18+$0x0] =	vst.idx.add.f32.msk $0xffff, v40;
	(pc) =	sbr.rel @p0 .LBB2_16-.Ltmp7, $4  }
0x2ba: {  	v40 =	vadd.s32 v2, v25;
	[tilespmem:v43+s18+$0x0] =	vst.idx.add.f32.msk $0xffff, v36  }
0x2bb: {  	v38 =	vor.u32 v15, v31;
	[tilespmem:v45+s18+$0x0] =	vst.idx.add.f32.msk $0xffff, v41  }
0x2bc: {  	v31 =	vor.u32 v12, v31;
	v36 =	vld.idx.msk [tilespmem:v47+s2+$0x0], $0xffff  }
0x2bd: {  	v37 =	vadd.s32 v3, v32;
	v32 =	vld.idx.msk [tilespmem:v44+s2+$0x0], $0xffff  }
0x2be: {  	_ =	sdelay $0x3  }
0x2bf: {  	[tilespmem:v39+s18+$0x0] =	vst.idx.add.f32.msk $0xffff, v35  }
0x2c0: {  	[tilespmem:v40+s18+$0x0] =	vst.idx.add.f32.msk $0xffff, v34;
	v30 =	vadd.s32 v3, v30  }
0x2c1: {  	v26 =	vadd.s32 v3, v26;
	v31 =	vld.idx.msk [tilespmem:v31+s2+$0x0], $0xffff  }
0x2c2: {  	v28 =	vadd.s32 v3, v28;
	v34 =	vld.idx.msk [tilespmem:v38+s2+$0x0], $0xffff  }
0x2c3: {  	v25 =	vadd.s32 v3, v25;
	v29 =	vld.idx.msk [tilespmem:v29+s2+$0x0], $0xffff  }
0x2c4: {  	v27 =	vadd.s32 v3, v27;
	[tilespmem:v37+s18+$0x0] =	vst.idx.add.f32.msk $0xffff, v36  }
0x2c5: {  	[tilespmem:v30+s18+$0x0] =	vst.idx.add.f32.msk $0xffff, v32  }
0x2c6: {  	[tilespmem:v26+s18+$0x0] =	vst.idx.add.f32.msk $0xffff, v33  }
0x2c7: {  	s19 =	sadd.s32 $0x1, s19;
	[tilespmem:v28+s18+$0x0] =	vst.idx.add.f32.msk $0xffff, v31  }
0x2c8: {  	p0 =	sne.s32 s19, s15;
	[tilespmem:v25+s18+$0x0] =	vst.idx.add.f32.msk $0xffff, v34  }
.Ltmp8:
0x2c9: {  	[tilespmem:v27+s18+$0x0] =	vst.idx.add.f32.msk $0xffff, v29;
	(pc) =	sbr.rel @p0 .LBB2_1-.Ltmp8, $4  }
0x2ca: {  	[hbm4b:s14+s2] =	stream.linear.scatter [tilespmem:s18], [sflag:$0x1], $0xC000, $0x38;
	[tilespmem:$0x18400] =	vst v63  }
0x2cb: {  	_ =	swait.ge [sflag:s17], $0xC000  }
0x2cc: {  	[sflag:s17] =	ssyncset.done $0x0  }
0x2cd: {  	[sflag:s17] =	ssyncadd.s32 $0xFFFF4000  }
0x2ce: {  	_ =	sfence.sel $0x180000  }
0x2cf: {  	[bflag:$0x0] =	sbarrier.arrive $0xFFFF  }
0x2d0: {  	p0 =	sne.s32 s1, $0x0;
	_ =	strace $0x90000047  }
0x2d1: {  	s0 =	sadd.s32 @!p0 $0x100000, s0;
	[bflag:$0x2] =	sbarrier.arrive $0xFFFF  }
0x2d2: {  	[sflag:s0] =	ssyncadd.tile.s32 @!p0 $0x1;
	_ =	shalt  }
.Lfunc_end2:
_tile_overlayer_lowered:
.L_overlay_start_2:
0x2d3: {  	(tag) =	ssettag $0x2  }
0x2d4: {  	s0 =	rddreg [dreg:$0x0];
	s2 =	stileid.u32  }
0x2d5: {  	s1 =	rddreg [dreg:$0x1];
	p0 =	sne.s32 s2, $0x0  }
0x2d6: {  	s3 =	rddreg [dreg:$0x2];
	[bflag:$0x3] =	sbarrier.arrive $0xFFFF;
	s2 =	simm.s32 @!p0 $0x1C01  }
0x2d7: {  	[timem:s3], [sflag:s2] =	dma.local @!p0 [hbm:s0], s1  }
0x2d8: {  	s0 =	simm.s32 @!p0 $0x1  }
0x2d9: {  	_ =	swait.ge @!p0 [sflag:s0], s1  }
0x2da: {  	s1 =	ssub.s32 @!p0 $0x0, s1;
	[sflag:s0] =	ssyncset.done @!p0 $0x0  }
0x2db: {  	[sflag:s0] =	ssyncadd.s32 @!p0 s1  }
0x2dc: {  	[bflag:$0x3] =	sbarrier.arrive $0xFFFF  }
0x2dd: {  	_ =	shalt  }

</sc_bundles>
